<compile_context>
chip_gen: v7x
topology: tpu7x:2x2x1
jax: 0.10.2.dev20260603
libtpu: 0.0.44.dev20260713+nightly
codegen_flags: <defaults>
</compile_context>

<pallas_src>
import functools

import jax
import jax.numpy as jnp
from jax import lax
from jax.experimental import pallas as pl
from jax.experimental.pallas import tpu as pltpu
from jax.experimental.pallas import tpu_sc as plsc

B, N, K = 2, 16384, 16
C = 64
ROW = 128
XP = 4
XOFF = C + C // 2
NK = N * K
NW = 32
CH = 128
PERW = NK // NW
NCH = PERW // CH
BLK1 = 1024
BLK3 = 512
M3 = BLK3 * K


def _pack_bf16_pairs(v):
    lo = lax.convert_element_type(
        lax.bitcast_convert_type(v[:, :C // 2].astype(jnp.bfloat16), jnp.uint16),
        jnp.uint32)
    hi = lax.convert_element_type(
        lax.bitcast_convert_type(v[:, C // 2:].astype(jnp.bfloat16), jnp.uint16),
        jnp.uint32)
    return lax.bitcast_convert_type(lo | (hi << 16), jnp.float32)


def _unpack_bf16_pairs(packed_f32):
    w = lax.bitcast_convert_type(packed_f32, jnp.uint32)
    lo = lax.convert_element_type(w & jnp.uint32(0xFFFF), jnp.uint16)
    hi = lax.convert_element_type(w >> 16, jnp.uint16)
    return jnp.concatenate(
        [lax.bitcast_convert_type(lo, jnp.bfloat16).astype(jnp.float32),
         lax.bitcast_convert_type(hi, jnp.bfloat16).astype(jnp.float32)],
        axis=1)


def _proj_body(f_ref, x_ref, wkt_ref, bk_ref, wvt_ref, bv_ref, tab_ref):
    f = f_ref[...]
    k = jnp.dot(f, wkt_ref[...], preferred_element_type=jnp.float32) + bk_ref[...]
    v = jnp.dot(f, wvt_ref[...], preferred_element_type=jnp.float32) + bv_ref[...]
    vpack = _pack_bf16_pairs(v)
    pad = jnp.zeros((f.shape[0], ROW - XOFF - 3), jnp.float32)
    tab_ref[...] = jnp.concatenate([k, vpack, x_ref[...], pad], axis=1)


def _make_proj():
    grid = (N // BLK1,)
    full = lambda shape: pl.BlockSpec(shape, lambda i: (0, 0))
    return pl.pallas_call(
        _proj_body,
        grid=grid,
        in_specs=[
            pl.BlockSpec((BLK1, C), lambda i: (i, 0)),
            pl.BlockSpec((BLK1, 3), lambda i: (i, 0)),
            full((C, C)), full((1, C)), full((C, C)), full((1, C)),
        ],
        out_specs=pl.BlockSpec((BLK1, ROW), lambda i: (i, 0)),
        out_shape=jax.ShapeDtypeStruct((N, ROW), jnp.float32),
    )


NBUF = 2


def _gather_body(tab_hbm, idx_hbm, out_hbm, idx_v, *bufs_and_sems):
    bufs = bufs_and_sems[:NBUF]
    sgs = bufs_and_sems[NBUF:2 * NBUF]
    sws = bufs_and_sems[2 * NBUF:3 * NBUF]
    wid = lax.axis_index("s") * 2 + lax.axis_index("c")
    pltpu.sync_copy(idx_hbm.at[pl.ds(wid * NCH, NCH)], idx_v)
    base = wid * PERW

    def gath_start(c, b):
        pltpu.async_copy(tab_hbm.at[idx_v.at[c]], bufs[b], sgs[b])

    def gath_wait(c, b):
        pltpu.make_async_copy(tab_hbm.at[idx_v.at[c]], bufs[b], sgs[b]).wait()

    def wb_start(c, b):
        pltpu.async_copy(bufs[b], out_hbm.at[pl.ds(base + c * CH, CH)], sws[b])

    def wb_wait(c, b):
        pltpu.make_async_copy(bufs[b], out_hbm.at[pl.ds(base + c * CH, CH)],
                              sws[b]).wait()

    for b in range(NBUF):
        gath_start(b, b)

    def body(j, carry):
        c0 = NBUF * j
        for b in range(NBUF):
            gath_wait(c0 + b, b)
            wb_start(c0 + b, b)

        @pl.when(c0 + NBUF < NCH)
        def _():
            for b in range(NBUF):
                wb_wait(c0 + b, b)
                gath_start(c0 + NBUF + b, b)

        return carry

    lax.fori_loop(0, NCH // NBUF, body, 0)
    for b in range(NBUF):
        wb_wait(NCH - NBUF + b, b)


def _make_gather():
    mesh = plsc.VectorSubcoreMesh(core_axis_name="c", subcore_axis_name="s")
    return pl.kernel(
        _gather_body,
        out_type=jax.ShapeDtypeStruct((NK, ROW), jnp.float32),
        mesh=mesh,
        scratch_types=[pltpu.VMEM((NCH, CH), jnp.int32)]
        + [pltpu.VMEM((CH, ROW), jnp.float32) for _ in range(NBUF)]
        + [pltpu.SemaphoreType.DMA for _ in range(2 * NBUF)],
    )


def _fused_body(f_ref, x_ref, g_ref,
                wqt_ref, bq2_ref, wd1p_ref, wd2t_ref,
                wg1t_ref, bg1_ref, wg2t_ref, wot_ref, bo2_ref, o_ref):
    dot = functools.partial(jnp.dot, preferred_element_type=jnp.float32)
    f = f_ref[...]
    q = dot(f, wqt_ref[...]) + bq2_ref[...]
    xi = x_ref[...]
    rows = g_ref[...]
    kg = rows[:, :C]
    vg = _unpack_bf16_pairs(rows[:, C:XOFF])
    xg = rows[:, XOFF:XOFF + XP]
    wd1p = wd1p_ref[...]
    pn = dot(xg, wd1p)
    pq = dot(xi, wd1p)
    pre = pq.reshape(BLK3, 1, C) - pn.reshape(BLK3, K, C)
    pe = dot(jnp.maximum(pre, 0.0).reshape(M3, C), wd2t_ref[...])
    af = q.reshape(BLK3, 1, C) - kg.reshape(BLK3, K, C) + pe.reshape(BLK3, K, C)
    h1 = jnp.maximum(dot(af.reshape(M3, C), wg1t_ref[...]) + bg1_ref[...], 0.0)
    e = jnp.exp(dot(h1, wg2t_ref[...])).reshape(BLK3, K, C)
    den = jnp.sum(e, axis=1)
    num = jnp.sum(e * (vg.reshape(BLK3, K, C) + pe.reshape(BLK3, K, C)), axis=1)
    o_ref[...] = dot(num / den, wot_ref[...]) + bo2_ref[...]


def _make_fused():
    grid = (N // BLK3,)
    full = lambda shape: pl.BlockSpec(shape, lambda i: (0, 0))
    return pl.pallas_call(
        _fused_body,
        grid=grid,
        in_specs=[
            pl.BlockSpec((BLK3, C), lambda i: (i, 0)),
            pl.BlockSpec((BLK3, XP), lambda i: (i, 0)),
            pl.BlockSpec((M3, ROW), lambda i: (i, 0)),
            full((C, C)), full((1, C)),
            full((XP, C)),
            full((C, C)),
            full((C, C)), full((1, C)),
            full((C, C)),
            full((C, C)), full((1, C)),
        ],
        out_specs=pl.BlockSpec((BLK3, C), lambda i: (i, 0)),
        out_shape=jax.ShapeDtypeStruct((N, C), jnp.float32),
    )


def kernel(xyz, features, neighbor_indices, Wq, bq, Wk, bk, Wv, bv,
           Wd1, bd1, Wd2, bd2, Wg1, bg1, Wg2, bg2, Wo, bo):
    f32 = jnp.float32
    idx = neighbor_indices.astype(jnp.int32)
    xyz = xyz.astype(f32)
    xyzp = jnp.concatenate([xyz, jnp.ones((B, N, XP - 3), f32)], axis=-1)
    wqt, wkt, wvt = Wq.T, Wk.T, Wv.T
    wd1p = jnp.zeros((XP, C), f32).at[:3, :].set(Wd1.T).at[3, :].set(bd1)
    wd2t, wg1t, wg2t, wot = Wd2.T, Wg1.T, Wg2.T, Wo.T
    bq2 = bq + bd2
    bo2 = bd2 @ wot + bo
    row = lambda b: b.reshape(1, C).astype(f32)

    proj = _make_proj()
    gather = _make_gather()
    fused = _make_fused()

    tabs = [proj(features[b], xyz[b], wkt, row(bk), wvt, row(bv))
            for b in range(B)]
    gs = [gather(tabs[b], idx[b].reshape(NK // CH, CH)) for b in range(B)]
    outs = [fused(features[b], xyzp[b], gs[b],
                  wqt, row(bq2), wd1p, wd2t,
                  wg1t, row(bg1), wg2t, wot, row(bo2))
            for b in range(B)]
    return jnp.stack(outs)

# --- scband reference (transcript-rebuilt; emitter-appended) ---
"""Pipeline reference for scband-point-transformer-layer-17265768530257 (READ-ONLY COPY).

The authoritative reference and input builder live on the scoring server;
editing this copy changes nothing except your own understanding.
"""

import jax, jax.numpy as jnp
import numpy as np

B, N, K = 2, 16384, 16
CIN, COUT = 64, 64

def setup_inputs(seed: int = 0) -> dict:
    key = jax.random.key(seed)
    ks = jax.random.split(key, 20)
    s = 0.05
    inp = {
        'xyz': jax.random.normal(ks[0], (B, N, 3), dtype=jnp.float32),
        'features': jax.random.normal(ks[1], (B, N, CIN), dtype=jnp.float32),
        'neighbor_indices': jax.random.randint(ks[2], (B, N, K), 0, N, dtype=jnp.int64) if jax.config.jax_enable_x64 else jax.random.randint(ks[2], (B, N, K), 0, N, dtype=jnp.int32),
        'Wq': jax.random.normal(ks[3], (COUT, CIN)) * s, 'bq': jnp.zeros((COUT,)),
        'Wk': jax.random.normal(ks[4], (COUT, CIN)) * s, 'bk': jnp.zeros((COUT,)),
        'Wv': jax.random.normal(ks[5], (COUT, CIN)) * s, 'bv': jnp.zeros((COUT,)),
        'Wd1': jax.random.normal(ks[6], (COUT, 3)) * s, 'bd1': jnp.zeros((COUT,)),
        'Wd2': jax.random.normal(ks[7], (COUT, COUT)) * s, 'bd2': jnp.zeros((COUT,)),
        'Wg1': jax.random.normal(ks[8], (COUT, COUT)) * s, 'bg1': jnp.zeros((COUT,)),
        'Wg2': jax.random.normal(ks[9], (COUT, COUT)) * s, 'bg2': jnp.zeros((COUT,)),
        'Wo': jax.random.normal(ks[10], (COUT, COUT)) * s, 'bo': jnp.zeros((COUT,)),
    }
    return inp

def _lin(x, W, b):
    return x @ W.T + b

_gather = jax.vmap(lambda f, i: f[i])  # per-batch: (N,C)[ (N,K) ] -> (N,K,C)

def reference(xyz, features, neighbor_indices, Wq, bq, Wk, bk, Wv, bv, Wd1, bd1, Wd2, bd2, Wg1, bg1, Wg2, bg2, Wo, bo):
    q = _lin(features, Wq, bq)
    k = _lin(features, Wk, bk)
    v = _lin(features, Wv, bv)
    k_nb = _gather(k, neighbor_indices)          # (B,N,K,Cout)
    v_nb = _gather(v, neighbor_indices)          # (B,N,K,Cout)
    xyz_nb = _gather(xyz, neighbor_indices)      # (B,N,K,3)
    delta = xyz[:, :, None, :] - xyz_nb
    pos_enc = _lin(jax.nn.relu(_lin(delta, Wd1, bd1)), Wd2, bd2)
    attn_features = q[:, :, None, :] - k_nb + pos_enc
    attn_weights = _lin(jax.nn.relu(_lin(attn_features, Wg1, bg1)), Wg2, bg2)
    attn_weights = jax.nn.softmax(attn_weights, axis=2)
    out = jnp.sum(attn_weights * (v_nb + pos_enc), axis=2)
    out = _lin(out, Wo, bo)
    return out

if __name__ == "__main__":
    import jax
    _d = setup_inputs()
    print(jax.jit(kernel)(*tuple(_d.values())))

</pallas_src>

<mosaic_0001>
#map = affine_map<(d0, d1) -> (0, 0)>
module attributes {stable_mosaic.version = 14 : i64} {
  func.func @_gather_body(%arg0: i32, %arg1: i32, %arg2: memref<16384x128xf32, #tpu.memory_space<hbm>>, %arg3: memref<2048x128xi32, #tpu.memory_space<hbm>>, %arg4: memref<262144x128xf32, #tpu.memory_space<hbm>>, %arg5: memref<64x128xi32, #tpu.memory_space<vmem>>, %arg6: memref<128x128xf32, #tpu.memory_space<vmem>>, %arg7: memref<128x128xf32, #tpu.memory_space<vmem>>, %arg8: memref<!tpu.dma_semaphore, #tpu.memory_space<semaphore_mem>>, %arg9: memref<!tpu.dma_semaphore, #tpu.memory_space<semaphore_mem>>, %arg10: memref<!tpu.dma_semaphore, #tpu.memory_space<semaphore_mem>>, %arg11: memref<!tpu.dma_semaphore, #tpu.memory_space<semaphore_mem>>) attributes {dimension_semantics = [#tpu.dimension_semantics<core_parallel>, #tpu.dimension_semantics<subcore_parallel>], iteration_bounds = array<i64: 2, 16>, scalar_prefetch = 0 : i64, scratch_operands = 7 : i64, tpu.core_type = #tpu.core_type<sc_vector_subcore>, window_params = [{transform_indices = #map}, {transform_indices = #map}, {transform_indices = #map}]} {
    %mul3A = arith.constant 2 : i32
    %mul3A_0 = arith.muli %arg1, %mul3A : i32
    %add3A = arith.addi %mul3A_0, %arg0 : i32
    %mul3A_1 = arith.constant 64 : i32
    %mul3A_2 = arith.muli %add3A, %mul3A_1 : i32
    "tpu.region"() ({
      %run_scoped3A = tpu.sem_alloc : memref<!tpu.dma_semaphore, #tpu.memory_space<semaphore_mem>>
      %dma_start3A_34 = arith.constant 0 : i32
      %dma_start3A_35 = tpu.memref_slice %arg3[%mul3A_2, %dma_start3A_34] : memref<2048x128xi32, #tpu.memory_space<hbm>> -> memref<64x128xi32, #tpu.memory_space<hbm>>
      %dma_start3A_36 = arith.constant 0 : i32
      %dma_start3A_37 = tpu.memref_slice %arg3[%mul3A_2, %dma_start3A_36] : memref<2048x128xi32, #tpu.memory_space<hbm>> -> memref<64x128xi32, #tpu.memory_space<hbm>>
      tpu.enqueue_dma source(%dma_start3A_37 : memref<64x128xi32, #tpu.memory_space<hbm>>) target(%arg5 : memref<64x128xi32, #tpu.memory_space<vmem>>) target_semaphore(%run_scoped3A : memref<!tpu.dma_semaphore, #tpu.memory_space<semaphore_mem>>)
      %dma_wait3A_38 = arith.constant 0 : i32
      %dma_wait3A_39 = tpu.memref_slice %arg3[%mul3A_2, %dma_wait3A_38] : memref<2048x128xi32, #tpu.memory_space<hbm>> -> memref<64x128xi32, #tpu.memory_space<hbm>>
      %dma_wait3A_40 = arith.constant 0 : i32
      %dma_wait3A_41 = tpu.memref_slice %arg3[%mul3A_2, %dma_wait3A_40] : memref<2048x128xi32, #tpu.memory_space<hbm>> -> memref<64x128xi32, #tpu.memory_space<hbm>>
      tpu.wait_dma2 semaphore(%run_scoped3A : memref<!tpu.dma_semaphore, #tpu.memory_space<semaphore_mem>>) src(%dma_wait3A_41 : memref<64x128xi32, #tpu.memory_space<hbm>>) dst(%arg5 : memref<64x128xi32, #tpu.memory_space<vmem>>)
      tpu.yield
    }) : () -> ()
    %mul3A_3 = arith.constant 8192 : i32
    %mul3A_4 = arith.muli %add3A, %mul3A_3 : i32
    %dma_start3A = arith.constant 0 : i32
    %dma_start3A_5 = arith.constant 0 : i32
    %dma_start3A_6 = tpu.memref_slice %arg5[%dma_start3A, %dma_start3A_5] : memref<64x128xi32, #tpu.memory_space<vmem>> -> memref<1x128xi32, #tpu.memory_space<vmem>>
    %dma_start3A_7 = tpu.memref_squeeze %dma_start3A_6 : memref<1x128xi32, #tpu.memory_space<vmem>> -> memref<128xi32, #tpu.memory_space<vmem>>
    %dma_start3A_8 = arith.constant 0 : i32
    %dma_start3A_9 = arith.constant 0 : i32
    %dma_start3A_10 = tpu.memref_slice %arg2[%dma_start3A_8, %dma_start3A_9] : memref<16384x128xf32, #tpu.memory_space<hbm>> -> memref<16384x128xf32, #tpu.memory_space<hbm>>
    tpu.enqueue_indirect_dma source(%dma_start3A_10 : memref<16384x128xf32, #tpu.memory_space<hbm>>) target(%arg6 : memref<128x128xf32, #tpu.memory_space<vmem>>) offsets(%dma_start3A_7 : memref<128xi32, #tpu.memory_space<vmem>>) semaphore(%arg8 : memref<!tpu.dma_semaphore, #tpu.memory_space<semaphore_mem>>)
    %dma_start3A_11 = arith.constant 1 : i32
    %dma_start3A_12 = arith.constant 0 : i32
    %dma_start3A_13 = tpu.memref_slice %arg5[%dma_start3A_11, %dma_start3A_12] : memref<64x128xi32, #tpu.memory_space<vmem>> -> memref<1x128xi32, #tpu.memory_space<vmem>>
    %dma_start3A_14 = tpu.memref_squeeze %dma_start3A_13 : memref<1x128xi32, #tpu.memory_space<vmem>> -> memref<128xi32, #tpu.memory_space<vmem>>
    %dma_start3A_15 = arith.constant 0 : i32
    %dma_start3A_16 = arith.constant 0 : i32
    %dma_start3A_17 = tpu.memref_slice %arg2[%dma_start3A_15, %dma_start3A_16] : memref<16384x128xf32, #tpu.memory_space<hbm>> -> memref<16384x128xf32, #tpu.memory_space<hbm>>
    tpu.enqueue_indirect_dma source(%dma_start3A_17 : memref<16384x128xf32, #tpu.memory_space<hbm>>) target(%arg7 : memref<128x128xf32, #tpu.memory_space<vmem>>) offsets(%dma_start3A_14 : memref<128xi32, #tpu.memory_space<vmem>>) semaphore(%arg9 : memref<!tpu.dma_semaphore, #tpu.memory_space<semaphore_mem>>)
    %scan3A = arith.constant 0 : i32
    %scan3A_18 = arith.constant 0 : i32
    %scan3A_19 = arith.constant 32 : i32
    %scan3A_20 = arith.addi %scan3A_18, %scan3A_19 : i32
    %scan3A_21 = arith.constant 1 : i32
    scf.for %scan3A_34 = %scan3A_18 to %scan3A_20 step %scan3A_21  : i32 {
      %mul3A_35 = arith.constant 2 : i32
      %mul3A_36 = arith.muli %mul3A_35, %scan3A_34 : i32
      %add3A_37 = arith.constant 0 : i32
      %add3A_38 = arith.addi %mul3A_36, %add3A_37 : i32
      %dma_wait3A_39 = arith.constant 0 : i32
      %dma_wait3A_40 = tpu.memref_slice %arg5[%add3A_38, %dma_wait3A_39] : memref<64x128xi32, #tpu.memory_space<vmem>> -> memref<1x128xi32, #tpu.memory_space<vmem>>
      %dma_wait3A_41 = tpu.memref_squeeze %dma_wait3A_40 : memref<1x128xi32, #tpu.memory_space<vmem>> -> memref<128xi32, #tpu.memory_space<vmem>>
      %dma_wait3A_42 = arith.constant 0 : i32
      %dma_wait3A_43 = arith.constant 0 : i32
      %dma_wait3A_44 = tpu.memref_slice %arg2[%dma_wait3A_42, %dma_wait3A_43] : memref<16384x128xf32, #tpu.memory_space<hbm>> -> memref<16384x128xf32, #tpu.memory_space<hbm>>
      tpu.wait_indirect_dma semaphore(%arg8 : memref<!tpu.dma_semaphore, #tpu.memory_space<semaphore_mem>>) src(%dma_wait3A_44 : memref<16384x128xf32, #tpu.memory_space<hbm>>) dst(%arg6 : memref<128x128xf32, #tpu.memory_space<vmem>>)
      %add3A_45 = arith.constant 0 : i32
      %add3A_46 = arith.addi %mul3A_36, %add3A_45 : i32
      %mul3A_47 = arith.constant 128 : i32
      %mul3A_48 = arith.muli %add3A_46, %mul3A_47 : i32
      %add3A_49 = arith.addi %mul3A_4, %mul3A_48 : i32
      %dma_start3A_50 = arith.constant 0 : i32
      %dma_start3A_51 = tpu.memref_slice %arg4[%add3A_49, %dma_start3A_50] : memref<262144x128xf32, #tpu.memory_space<hbm>> -> memref<128x128xf32, #tpu.memory_space<hbm>>
      %dma_start3A_52 = arith.constant 0 : i32
      %dma_start3A_53 = tpu.memref_slice %arg4[%add3A_49, %dma_start3A_52] : memref<262144x128xf32, #tpu.memory_space<hbm>> -> memref<128x128xf32, #tpu.memory_space<hbm>>
      tpu.enqueue_dma source(%arg6 : memref<128x128xf32, #tpu.memory_space<vmem>>) target(%dma_start3A_53 : memref<128x128xf32, #tpu.memory_space<hbm>>) target_semaphore(%arg10 : memref<!tpu.dma_semaphore, #tpu.memory_space<semaphore_mem>>)
      %add3A_54 = arith.constant 1 : i32
      %add3A_55 = arith.addi %mul3A_36, %add3A_54 : i32
      %dma_wait3A_56 = arith.constant 0 : i32
      %dma_wait3A_57 = tpu.memref_slice %arg5[%add3A_55, %dma_wait3A_56] : memref<64x128xi32, #tpu.memory_space<vmem>> -> memref<1x128xi32, #tpu.memory_space<vmem>>
      %dma_wait3A_58 = tpu.memref_squeeze %dma_wait3A_57 : memref<1x128xi32, #tpu.memory_space<vmem>> -> memref<128xi32, #tpu.memory_space<vmem>>
      %dma_wait3A_59 = arith.constant 0 : i32
      %dma_wait3A_60 = arith.constant 0 : i32
      %dma_wait3A_61 = tpu.memref_slice %arg2[%dma_wait3A_59, %dma_wait3A_60] : memref<16384x128xf32, #tpu.memory_space<hbm>> -> memref<16384x128xf32, #tpu.memory_space<hbm>>
      tpu.wait_indirect_dma semaphore(%arg9 : memref<!tpu.dma_semaphore, #tpu.memory_space<semaphore_mem>>) src(%dma_wait3A_61 : memref<16384x128xf32, #tpu.memory_space<hbm>>) dst(%arg7 : memref<128x128xf32, #tpu.memory_space<vmem>>)
      %add3A_62 = arith.constant 1 : i32
      %add3A_63 = arith.addi %mul3A_36, %add3A_62 : i32
      %mul3A_64 = arith.constant 128 : i32
      %mul3A_65 = arith.muli %add3A_63, %mul3A_64 : i32
      %add3A_66 = arith.addi %mul3A_4, %mul3A_65 : i32
      %dma_start3A_67 = arith.constant 0 : i32
      %dma_start3A_68 = tpu.memref_slice %arg4[%add3A_66, %dma_start3A_67] : memref<262144x128xf32, #tpu.memory_space<hbm>> -> memref<128x128xf32, #tpu.memory_space<hbm>>
      %dma_start3A_69 = arith.constant 0 : i32
      %dma_start3A_70 = tpu.memref_slice %arg4[%add3A_66, %dma_start3A_69] : memref<262144x128xf32, #tpu.memory_space<hbm>> -> memref<128x128xf32, #tpu.memory_space<hbm>>
      tpu.enqueue_dma source(%arg7 : memref<128x128xf32, #tpu.memory_space<vmem>>) target(%dma_start3A_70 : memref<128x128xf32, #tpu.memory_space<hbm>>) target_semaphore(%arg11 : memref<!tpu.dma_semaphore, #tpu.memory_space<semaphore_mem>>)
      %add3A_71 = arith.constant 2 : i32
      %add3A_72 = arith.addi %mul3A_36, %add3A_71 : i32
      %lt3A = arith.constant 64 : i32
      %lt3A_73 = arith.cmpi slt, %add3A_72, %lt3A : i32
      %convert_element_type3A = arith.extui %lt3A_73 : i1 to i32
      %cond3A = arith.constant 0 : i32
      %cond3A_74 = arith.cmpi ne, %convert_element_type3A, %cond3A : i32
      scf.if %cond3A_74 {
        %add3A_75 = arith.constant 0 : i32
        %add3A_76 = arith.addi %mul3A_36, %add3A_75 : i32
        %mul3A_77 = arith.constant 128 : i32
        %mul3A_78 = arith.muli %add3A_76, %mul3A_77 : i32
        %add3A_79 = arith.addi %mul3A_4, %mul3A_78 : i32
        %dma_wait3A_80 = arith.constant 0 : i32
        %dma_wait3A_81 = tpu.memref_slice %arg4[%add3A_79, %dma_wait3A_80] : memref<262144x128xf32, #tpu.memory_space<hbm>> -> memref<128x128xf32, #tpu.memory_space<hbm>>
        %dma_wait3A_82 = arith.constant 0 : i32
        %dma_wait3A_83 = tpu.memref_slice %arg4[%add3A_79, %dma_wait3A_82] : memref<262144x128xf32, #tpu.memory_space<hbm>> -> memref<128x128xf32, #tpu.memory_space<hbm>>
        tpu.wait_dma2 semaphore(%arg10 : memref<!tpu.dma_semaphore, #tpu.memory_space<semaphore_mem>>) src(%arg6 : memref<128x128xf32, #tpu.memory_space<vmem>>) dst(%dma_wait3A_83 : memref<128x128xf32, #tpu.memory_space<hbm>>)
        %add3A_84 = arith.constant 2 : i32
        %add3A_85 = arith.addi %mul3A_36, %add3A_84 : i32
        %add3A_86 = arith.constant 0 : i32
        %add3A_87 = arith.addi %add3A_85, %add3A_86 : i32
        %dma_start3A_88 = arith.constant 0 : i32
        %dma_start3A_89 = tpu.memref_slice %arg5[%add3A_87, %dma_start3A_88] : memref<64x128xi32, #tpu.memory_space<vmem>> -> memref<1x128xi32, #tpu.memory_space<vmem>>
        %dma_start3A_90 = tpu.memref_squeeze %dma_start3A_89 : memref<1x128xi32, #tpu.memory_space<vmem>> -> memref<128xi32, #tpu.memory_space<vmem>>
        %dma_start3A_91 = arith.constant 0 : i32
        %dma_start3A_92 = arith.constant 0 : i32
        %dma_start3A_93 = tpu.memref_slice %arg2[%dma_start3A_91, %dma_start3A_92] : memref<16384x128xf32, #tpu.memory_space<hbm>> -> memref<16384x128xf32, #tpu.memory_space<hbm>>
        tpu.enqueue_indirect_dma source(%dma_start3A_93 : memref<16384x128xf32, #tpu.memory_space<hbm>>) target(%arg6 : memref<128x128xf32, #tpu.memory_space<vmem>>) offsets(%dma_start3A_90 : memref<128xi32, #tpu.memory_space<vmem>>) semaphore(%arg8 : memref<!tpu.dma_semaphore, #tpu.memory_space<semaphore_mem>>)
        %add3A_94 = arith.constant 1 : i32
        %add3A_95 = arith.addi %mul3A_36, %add3A_94 : i32
        %mul3A_96 = arith.constant 128 : i32
        %mul3A_97 = arith.muli %add3A_95, %mul3A_96 : i32
        %add3A_98 = arith.addi %mul3A_4, %mul3A_97 : i32
        %dma_wait3A_99 = arith.constant 0 : i32
        %dma_wait3A_100 = tpu.memref_slice %arg4[%add3A_98, %dma_wait3A_99] : memref<262144x128xf32, #tpu.memory_space<hbm>> -> memref<128x128xf32, #tpu.memory_space<hbm>>
        %dma_wait3A_101 = arith.constant 0 : i32
        %dma_wait3A_102 = tpu.memref_slice %arg4[%add3A_98, %dma_wait3A_101] : memref<262144x128xf32, #tpu.memory_space<hbm>> -> memref<128x128xf32, #tpu.memory_space<hbm>>
        tpu.wait_dma2 semaphore(%arg11 : memref<!tpu.dma_semaphore, #tpu.memory_space<semaphore_mem>>) src(%arg7 : memref<128x128xf32, #tpu.memory_space<vmem>>) dst(%dma_wait3A_102 : memref<128x128xf32, #tpu.memory_space<hbm>>)
        %add3A_103 = arith.constant 2 : i32
        %add3A_104 = arith.addi %mul3A_36, %add3A_103 : i32
        %add3A_105 = arith.constant 1 : i32
        %add3A_106 = arith.addi %add3A_104, %add3A_105 : i32
        %dma_start3A_107 = arith.constant 0 : i32
        %dma_start3A_108 = tpu.memref_slice %arg5[%add3A_106, %dma_start3A_107] : memref<64x128xi32, #tpu.memory_space<vmem>> -> memref<1x128xi32, #tpu.memory_space<vmem>>
        %dma_start3A_109 = tpu.memref_squeeze %dma_start3A_108 : memref<1x128xi32, #tpu.memory_space<vmem>> -> memref<128xi32, #tpu.memory_space<vmem>>
        %dma_start3A_110 = arith.constant 0 : i32
        %dma_start3A_111 = arith.constant 0 : i32
        %dma_start3A_112 = tpu.memref_slice %arg2[%dma_start3A_110, %dma_start3A_111] : memref<16384x128xf32, #tpu.memory_space<hbm>> -> memref<16384x128xf32, #tpu.memory_space<hbm>>
        tpu.enqueue_indirect_dma source(%dma_start3A_112 : memref<16384x128xf32, #tpu.memory_space<hbm>>) target(%arg7 : memref<128x128xf32, #tpu.memory_space<vmem>>) offsets(%dma_start3A_109 : memref<128xi32, #tpu.memory_space<vmem>>) semaphore(%arg9 : memref<!tpu.dma_semaphore, #tpu.memory_space<semaphore_mem>>)
      } else {
      }
    }
    %scan3A_22 = arith.constant 32 : i32
    %add3A_23 = arith.constant 7936 : i32
    %add3A_24 = arith.addi %mul3A_4, %add3A_23 : i32
    %dma_wait3A = arith.constant 0 : i32
    %dma_wait3A_25 = tpu.memref_slice %arg4[%add3A_24, %dma_wait3A] : memref<262144x128xf32, #tpu.memory_space<hbm>> -> memref<128x128xf32, #tpu.memory_space<hbm>>
    %dma_wait3A_26 = arith.constant 0 : i32
    %dma_wait3A_27 = tpu.memref_slice %arg4[%add3A_24, %dma_wait3A_26] : memref<262144x128xf32, #tpu.memory_space<hbm>> -> memref<128x128xf32, #tpu.memory_space<hbm>>
    tpu.wait_dma2 semaphore(%arg10 : memref<!tpu.dma_semaphore, #tpu.memory_space<semaphore_mem>>) src(%arg6 : memref<128x128xf32, #tpu.memory_space<vmem>>) dst(%dma_wait3A_27 : memref<128x128xf32, #tpu.memory_space<hbm>>)
    %add3A_28 = arith.constant 8064 : i32
    %add3A_29 = arith.addi %mul3A_4, %add3A_28 : i32
    %dma_wait3A_30 = arith.constant 0 : i32
    %dma_wait3A_31 = tpu.memref_slice %arg4[%add3A_29, %dma_wait3A_30] : memref<262144x128xf32, #tpu.memory_space<hbm>> -> memref<128x128xf32, #tpu.memory_space<hbm>>
    %dma_wait3A_32 = arith.constant 0 : i32
    %dma_wait3A_33 = tpu.memref_slice %arg4[%add3A_29, %dma_wait3A_32] : memref<262144x128xf32, #tpu.memory_space<hbm>> -> memref<128x128xf32, #tpu.memory_space<hbm>>
    tpu.wait_dma2 semaphore(%arg11 : memref<!tpu.dma_semaphore, #tpu.memory_space<semaphore_mem>>) src(%arg7 : memref<128x128xf32, #tpu.memory_space<vmem>>) dst(%dma_wait3A_33 : memref<128x128xf32, #tpu.memory_space<hbm>>)
    return
  }
}

#map = affine_map<(d0, d1) -> (0, 0)>
module attributes {stable_mosaic.version = 14 : i64} {
  func.func @_gather_body(%arg0: i32, %arg1: i32, %arg2: memref<16384x128xf32, #tpu.memory_space<hbm>>, %arg3: memref<2048x128xi32, #tpu.memory_space<hbm>>, %arg4: memref<262144x128xf32, #tpu.memory_space<hbm>>, %arg5: memref<64x128xi32, #tpu.memory_space<vmem>>, %arg6: memref<128x128xf32, #tpu.memory_space<vmem>>, %arg7: memref<128x128xf32, #tpu.memory_space<vmem>>, %arg8: memref<!tpu.dma_semaphore, #tpu.memory_space<semaphore_mem>>, %arg9: memref<!tpu.dma_semaphore, #tpu.memory_space<semaphore_mem>>, %arg10: memref<!tpu.dma_semaphore, #tpu.memory_space<semaphore_mem>>, %arg11: memref<!tpu.dma_semaphore, #tpu.memory_space<semaphore_mem>>) attributes {dimension_semantics = [#tpu.dimension_semantics<core_parallel>, #tpu.dimension_semantics<subcore_parallel>], iteration_bounds = array<i64: 2, 16>, scalar_prefetch = 0 : i64, scratch_operands = 7 : i64, tpu.core_type = #tpu.core_type<sc_vector_subcore>, window_params = [{transform_indices = #map}, {transform_indices = #map}, {transform_indices = #map}]} {
    %mul3A = arith.constant 2 : i32
    %mul3A_0 = arith.muli %arg1, %mul3A : i32
    %add3A = arith.addi %mul3A_0, %arg0 : i32
    %mul3A_1 = arith.constant 64 : i32
    %mul3A_2 = arith.muli %add3A, %mul3A_1 : i32
    "tpu.region"() ({
      %run_scoped3A = tpu.sem_alloc : memref<!tpu.dma_semaphore, #tpu.memory_space<semaphore_mem>>
      %dma_start3A_34 = arith.constant 0 : i32
      %dma_start3A_35 = tpu.memref_slice %arg3[%mul3A_2, %dma_start3A_34] : memref<2048x128xi32, #tpu.memory_space<hbm>> -> memref<64x128xi32, #tpu.memory_space<hbm>>
      %dma_start3A_36 = arith.constant 0 : i32
      %dma_start3A_37 = tpu.memref_slice %arg3[%mul3A_2, %dma_start3A_36] : memref<2048x128xi32, #tpu.memory_space<hbm>> -> memref<64x128xi32, #tpu.memory_space<hbm>>
      tpu.enqueue_dma source(%dma_start3A_37 : memref<64x128xi32, #tpu.memory_space<hbm>>) target(%arg5 : memref<64x128xi32, #tpu.memory_space<vmem>>) target_semaphore(%run_scoped3A : memref<!tpu.dma_semaphore, #tpu.memory_space<semaphore_mem>>)
      %dma_wait3A_38 = arith.constant 0 : i32
      %dma_wait3A_39 = tpu.memref_slice %arg3[%mul3A_2, %dma_wait3A_38] : memref<2048x128xi32, #tpu.memory_space<hbm>> -> memref<64x128xi32, #tpu.memory_space<hbm>>
      %dma_wait3A_40 = arith.constant 0 : i32
      %dma_wait3A_41 = tpu.memref_slice %arg3[%mul3A_2, %dma_wait3A_40] : memref<2048x128xi32, #tpu.memory_space<hbm>> -> memref<64x128xi32, #tpu.memory_space<hbm>>
      tpu.wait_dma2 semaphore(%run_scoped3A : memref<!tpu.dma_semaphore, #tpu.memory_space<semaphore_mem>>) src(%dma_wait3A_41 : memref<64x128xi32, #tpu.memory_space<hbm>>) dst(%arg5 : memref<64x128xi32, #tpu.memory_space<vmem>>)
      tpu.yield
    }) : () -> ()
    %mul3A_3 = arith.constant 8192 : i32
    %mul3A_4 = arith.muli %add3A, %mul3A_3 : i32
    %dma_start3A = arith.constant 0 : i32
    %dma_start3A_5 = arith.constant 0 : i32
    %dma_start3A_6 = tpu.memref_slice %arg5[%dma_start3A, %dma_start3A_5] : memref<64x128xi32, #tpu.memory_space<vmem>> -> memref<1x128xi32, #tpu.memory_space<vmem>>
    %dma_start3A_7 = tpu.memref_squeeze %dma_start3A_6 : memref<1x128xi32, #tpu.memory_space<vmem>> -> memref<128xi32, #tpu.memory_space<vmem>>
    %dma_start3A_8 = arith.constant 0 : i32
    %dma_start3A_9 = arith.constant 0 : i32
    %dma_start3A_10 = tpu.memref_slice %arg2[%dma_start3A_8, %dma_start3A_9] : memref<16384x128xf32, #tpu.memory_space<hbm>> -> memref<16384x128xf32, #tpu.memory_space<hbm>>
    tpu.enqueue_indirect_dma source(%dma_start3A_10 : memref<16384x128xf32, #tpu.memory_space<hbm>>) target(%arg6 : memref<128x128xf32, #tpu.memory_space<vmem>>) offsets(%dma_start3A_7 : memref<128xi32, #tpu.memory_space<vmem>>) semaphore(%arg8 : memref<!tpu.dma_semaphore, #tpu.memory_space<semaphore_mem>>)
    %dma_start3A_11 = arith.constant 1 : i32
    %dma_start3A_12 = arith.constant 0 : i32
    %dma_start3A_13 = tpu.memref_slice %arg5[%dma_start3A_11, %dma_start3A_12] : memref<64x128xi32, #tpu.memory_space<vmem>> -> memref<1x128xi32, #tpu.memory_space<vmem>>
    %dma_start3A_14 = tpu.memref_squeeze %dma_start3A_13 : memref<1x128xi32, #tpu.memory_space<vmem>> -> memref<128xi32, #tpu.memory_space<vmem>>
    %dma_start3A_15 = arith.constant 0 : i32
    %dma_start3A_16 = arith.constant 0 : i32
    %dma_start3A_17 = tpu.memref_slice %arg2[%dma_start3A_15, %dma_start3A_16] : memref<16384x128xf32, #tpu.memory_space<hbm>> -> memref<16384x128xf32, #tpu.memory_space<hbm>>
    tpu.enqueue_indirect_dma source(%dma_start3A_17 : memref<16384x128xf32, #tpu.memory_space<hbm>>) target(%arg7 : memref<128x128xf32, #tpu.memory_space<vmem>>) offsets(%dma_start3A_14 : memref<128xi32, #tpu.memory_space<vmem>>) semaphore(%arg9 : memref<!tpu.dma_semaphore, #tpu.memory_space<semaphore_mem>>)
    %scan3A = arith.constant 0 : i32
    %scan3A_18 = arith.constant 0 : i32
    %scan3A_19 = arith.constant 32 : i32
    %scan3A_20 = arith.addi %scan3A_18, %scan3A_19 : i32
    %scan3A_21 = arith.constant 1 : i32
    scf.for %scan3A_34 = %scan3A_18 to %scan3A_20 step %scan3A_21  : i32 {
      %mul3A_35 = arith.constant 2 : i32
      %mul3A_36 = arith.muli %mul3A_35, %scan3A_34 : i32
      %add3A_37 = arith.constant 0 : i32
      %add3A_38 = arith.addi %mul3A_36, %add3A_37 : i32
      %dma_wait3A_39 = arith.constant 0 : i32
      %dma_wait3A_40 = tpu.memref_slice %arg5[%add3A_38, %dma_wait3A_39] : memref<64x128xi32, #tpu.memory_space<vmem>> -> memref<1x128xi32, #tpu.memory_space<vmem>>
      %dma_wait3A_41 = tpu.memref_squeeze %dma_wait3A_40 : memref<1x128xi32, #tpu.memory_space<vmem>> -> memref<128xi32, #tpu.memory_space<vmem>>
      %dma_wait3A_42 = arith.constant 0 : i32
      %dma_wait3A_43 = arith.constant 0 : i32
      %dma_wait3A_44 = tpu.memref_slice %arg2[%dma_wait3A_42, %dma_wait3A_43] : memref<16384x128xf32, #tpu.memory_space<hbm>> -> memref<16384x128xf32, #tpu.memory_space<hbm>>
      tpu.wait_indirect_dma semaphore(%arg8 : memref<!tpu.dma_semaphore, #tpu.memory_space<semaphore_mem>>) src(%dma_wait3A_44 : memref<16384x128xf32, #tpu.memory_space<hbm>>) dst(%arg6 : memref<128x128xf32, #tpu.memory_space<vmem>>)
      %add3A_45 = arith.constant 0 : i32
      %add3A_46 = arith.addi %mul3A_36, %add3A_45 : i32
      %mul3A_47 = arith.constant 128 : i32
      %mul3A_48 = arith.muli %add3A_46, %mul3A_47 : i32
      %add3A_49 = arith.addi %mul3A_4, %mul3A_48 : i32
      %dma_start3A_50 = arith.constant 0 : i32
      %dma_start3A_51 = tpu.memref_slice %arg4[%add3A_49, %dma_start3A_50] : memref<262144x128xf32, #tpu.memory_space<hbm>> -> memref<128x128xf32, #tpu.memory_space<hbm>>
      %dma_start3A_52 = arith.constant 0 : i32
      %dma_start3A_53 = tpu.memref_slice %arg4[%add3A_49, %dma_start3A_52] : memref<262144x128xf32, #tpu.memory_space<hbm>> -> memref<128x128xf32, #tpu.memory_space<hbm>>
      tpu.enqueue_dma source(%arg6 : memref<128x128xf32, #tpu.memory_space<vmem>>) target(%dma_start3A_53 : memref<128x128xf32, #tpu.memory_space<hbm>>) target_semaphore(%arg10 : memref<!tpu.dma_semaphore, #tpu.memory_space<semaphore_mem>>)
      %add3A_54 = arith.constant 1 : i32
      %add3A_55 = arith.addi %mul3A_36, %add3A_54 : i32
      %dma_wait3A_56 = arith.constant 0 : i32
      %dma_wait3A_57 = tpu.memref_slice %arg5[%add3A_55, %dma_wait3A_56] : memref<64x128xi32, #tpu.memory_space<vmem>> -> memref<1x128xi32, #tpu.memory_space<vmem>>
      %dma_wait3A_58 = tpu.memref_squeeze %dma_wait3A_57 : memref<1x128xi32, #tpu.memory_space<vmem>> -> memref<128xi32, #tpu.memory_space<vmem>>
      %dma_wait3A_59 = arith.constant 0 : i32
      %dma_wait3A_60 = arith.constant 0 : i32
      %dma_wait3A_61 = tpu.memref_slice %arg2[%dma_wait3A_59, %dma_wait3A_60] : memref<16384x128xf32, #tpu.memory_space<hbm>> -> memref<16384x128xf32, #tpu.memory_space<hbm>>
      tpu.wait_indirect_dma semaphore(%arg9 : memref<!tpu.dma_semaphore, #tpu.memory_space<semaphore_mem>>) src(%dma_wait3A_61 : memref<16384x128xf32, #tpu.memory_space<hbm>>) dst(%arg7 : memref<128x128xf32, #tpu.memory_space<vmem>>)
      %add3A_62 = arith.constant 1 : i32
      %add3A_63 = arith.addi %mul3A_36, %add3A_62 : i32
      %mul3A_64 = arith.constant 128 : i32
      %mul3A_65 = arith.muli %add3A_63, %mul3A_64 : i32
      %add3A_66 = arith.addi %mul3A_4, %mul3A_65 : i32
      %dma_start3A_67 = arith.constant 0 : i32
      %dma_start3A_68 = tpu.memref_slice %arg4[%add3A_66, %dma_start3A_67] : memref<262144x128xf32, #tpu.memory_space<hbm>> -> memref<128x128xf32, #tpu.memory_space<hbm>>
      %dma_start3A_69 = arith.constant 0 : i32
      %dma_start3A_70 = tpu.memref_slice %arg4[%add3A_66, %dma_start3A_69] : memref<262144x128xf32, #tpu.memory_space<hbm>> -> memref<128x128xf32, #tpu.memory_space<hbm>>
      tpu.enqueue_dma source(%arg7 : memref<128x128xf32, #tpu.memory_space<vmem>>) target(%dma_start3A_70 : memref<128x128xf32, #tpu.memory_space<hbm>>) target_semaphore(%arg11 : memref<!tpu.dma_semaphore, #tpu.memory_space<semaphore_mem>>)
      %add3A_71 = arith.constant 2 : i32
      %add3A_72 = arith.addi %mul3A_36, %add3A_71 : i32
      %lt3A = arith.constant 64 : i32
      %lt3A_73 = arith.cmpi slt, %add3A_72, %lt3A : i32
      %convert_element_type3A = arith.extui %lt3A_73 : i1 to i32
      %cond3A = arith.constant 0 : i32
      %cond3A_74 = arith.cmpi ne, %convert_element_type3A, %cond3A : i32
      scf.if %cond3A_74 {
        %add3A_75 = arith.constant 0 : i32
        %add3A_76 = arith.addi %mul3A_36, %add3A_75 : i32
        %mul3A_77 = arith.constant 128 : i32
        %mul3A_78 = arith.muli %add3A_76, %mul3A_77 : i32
        %add3A_79 = arith.addi %mul3A_4, %mul3A_78 : i32
        %dma_wait3A_80 = arith.constant 0 : i32
        %dma_wait3A_81 = tpu.memref_slice %arg4[%add3A_79, %dma_wait3A_80] : memref<262144x128xf32, #tpu.memory_space<hbm>> -> memref<128x128xf32, #tpu.memory_space<hbm>>
        %dma_wait3A_82 = arith.constant 0 : i32
        %dma_wait3A_83 = tpu.memref_slice %arg4[%add3A_79, %dma_wait3A_82] : memref<262144x128xf32, #tpu.memory_space<hbm>> -> memref<128x128xf32, #tpu.memory_space<hbm>>
        tpu.wait_dma2 semaphore(%arg10 : memref<!tpu.dma_semaphore, #tpu.memory_space<semaphore_mem>>) src(%arg6 : memref<128x128xf32, #tpu.memory_space<vmem>>) dst(%dma_wait3A_83 : memref<128x128xf32, #tpu.memory_space<hbm>>)
        %add3A_84 = arith.constant 2 : i32
        %add3A_85 = arith.addi %mul3A_36, %add3A_84 : i32
        %add3A_86 = arith.constant 0 : i32
        %add3A_87 = arith.addi %add3A_85, %add3A_86 : i32
        %dma_start3A_88 = arith.constant 0 : i32
        %dma_start3A_89 = tpu.memref_slice %arg5[%add3A_87, %dma_start3A_88] : memref<64x128xi32, #tpu.memory_space<vmem>> -> memref<1x128xi32, #tpu.memory_space<vmem>>
        %dma_start3A_90 = tpu.memref_squeeze %dma_start3A_89 : memref<1x128xi32, #tpu.memory_space<vmem>> -> memref<128xi32, #tpu.memory_space<vmem>>
        %dma_start3A_91 = arith.constant 0 : i32
        %dma_start3A_92 = arith.constant 0 : i32
        %dma_start3A_93 = tpu.memref_slice %arg2[%dma_start3A_91, %dma_start3A_92] : memref<16384x128xf32, #tpu.memory_space<hbm>> -> memref<16384x128xf32, #tpu.memory_space<hbm>>
        tpu.enqueue_indirect_dma source(%dma_start3A_93 : memref<16384x128xf32, #tpu.memory_space<hbm>>) target(%arg6 : memref<128x128xf32, #tpu.memory_space<vmem>>) offsets(%dma_start3A_90 : memref<128xi32, #tpu.memory_space<vmem>>) semaphore(%arg8 : memref<!tpu.dma_semaphore, #tpu.memory_space<semaphore_mem>>)
        %add3A_94 = arith.constant 1 : i32
        %add3A_95 = arith.addi %mul3A_36, %add3A_94 : i32
        %mul3A_96 = arith.constant 128 : i32
        %mul3A_97 = arith.muli %add3A_95, %mul3A_96 : i32
        %add3A_98 = arith.addi %mul3A_4, %mul3A_97 : i32
        %dma_wait3A_99 = arith.constant 0 : i32
        %dma_wait3A_100 = tpu.memref_slice %arg4[%add3A_98, %dma_wait3A_99] : memref<262144x128xf32, #tpu.memory_space<hbm>> -> memref<128x128xf32, #tpu.memory_space<hbm>>
        %dma_wait3A_101 = arith.constant 0 : i32
        %dma_wait3A_102 = tpu.memref_slice %arg4[%add3A_98, %dma_wait3A_101] : memref<262144x128xf32, #tpu.memory_space<hbm>> -> memref<128x128xf32, #tpu.memory_space<hbm>>
        tpu.wait_dma2 semaphore(%arg11 : memref<!tpu.dma_semaphore, #tpu.memory_space<semaphore_mem>>) src(%arg7 : memref<128x128xf32, #tpu.memory_space<vmem>>) dst(%dma_wait3A_102 : memref<128x128xf32, #tpu.memory_space<hbm>>)
        %add3A_103 = arith.constant 2 : i32
        %add3A_104 = arith.addi %mul3A_36, %add3A_103 : i32
        %add3A_105 = arith.constant 1 : i32
        %add3A_106 = arith.addi %add3A_104, %add3A_105 : i32
        %dma_start3A_107 = arith.constant 0 : i32
        %dma_start3A_108 = tpu.memref_slice %arg5[%add3A_106, %dma_start3A_107] : memref<64x128xi32, #tpu.memory_space<vmem>> -> memref<1x128xi32, #tpu.memory_space<vmem>>
        %dma_start3A_109 = tpu.memref_squeeze %dma_start3A_108 : memref<1x128xi32, #tpu.memory_space<vmem>> -> memref<128xi32, #tpu.memory_space<vmem>>
        %dma_start3A_110 = arith.constant 0 : i32
        %dma_start3A_111 = arith.constant 0 : i32
        %dma_start3A_112 = tpu.memref_slice %arg2[%dma_start3A_110, %dma_start3A_111] : memref<16384x128xf32, #tpu.memory_space<hbm>> -> memref<16384x128xf32, #tpu.memory_space<hbm>>
        tpu.enqueue_indirect_dma source(%dma_start3A_112 : memref<16384x128xf32, #tpu.memory_space<hbm>>) target(%arg7 : memref<128x128xf32, #tpu.memory_space<vmem>>) offsets(%dma_start3A_109 : memref<128xi32, #tpu.memory_space<vmem>>) semaphore(%arg9 : memref<!tpu.dma_semaphore, #tpu.memory_space<semaphore_mem>>)
      } else {
      }
    }
    %scan3A_22 = arith.constant 32 : i32
    %add3A_23 = arith.constant 7936 : i32
    %add3A_24 = arith.addi %mul3A_4, %add3A_23 : i32
    %dma_wait3A = arith.constant 0 : i32
    %dma_wait3A_25 = tpu.memref_slice %arg4[%add3A_24, %dma_wait3A] : memref<262144x128xf32, #tpu.memory_space<hbm>> -> memref<128x128xf32, #tpu.memory_space<hbm>>
    %dma_wait3A_26 = arith.constant 0 : i32
    %dma_wait3A_27 = tpu.memref_slice %arg4[%add3A_24, %dma_wait3A_26] : memref<262144x128xf32, #tpu.memory_space<hbm>> -> memref<128x128xf32, #tpu.memory_space<hbm>>
    tpu.wait_dma2 semaphore(%arg10 : memref<!tpu.dma_semaphore, #tpu.memory_space<semaphore_mem>>) src(%arg6 : memref<128x128xf32, #tpu.memory_space<vmem>>) dst(%dma_wait3A_27 : memref<128x128xf32, #tpu.memory_space<hbm>>)
    %add3A_28 = arith.constant 8064 : i32
    %add3A_29 = arith.addi %mul3A_4, %add3A_28 : i32
    %dma_wait3A_30 = arith.constant 0 : i32
    %dma_wait3A_31 = tpu.memref_slice %arg4[%add3A_29, %dma_wait3A_30] : memref<262144x128xf32, #tpu.memory_space<hbm>> -> memref<128x128xf32, #tpu.memory_space<hbm>>
    %dma_wait3A_32 = arith.constant 0 : i32
    %dma_wait3A_33 = tpu.memref_slice %arg4[%add3A_29, %dma_wait3A_32] : memref<262144x128xf32, #tpu.memory_space<hbm>> -> memref<128x128xf32, #tpu.memory_space<hbm>>
    tpu.wait_dma2 semaphore(%arg11 : memref<!tpu.dma_semaphore, #tpu.memory_space<semaphore_mem>>) src(%arg7 : memref<128x128xf32, #tpu.memory_space<vmem>>) dst(%dma_wait3A_33 : memref<128x128xf32, #tpu.memory_space<hbm>>)
    return
  }
}

module attributes {stable_mosaic.version = 14 : i64} {
  func.func @_proj_body(%arg0: i32, %arg1: memref<1024x64xf32, #tpu.memory_space<vmem>>, %arg2: memref<1024x3xf32, #tpu.memory_space<vmem>>, %arg3: memref<64x64xf32, #tpu.memory_space<vmem>>, %arg4: memref<1x64xf32, #tpu.memory_space<vmem>>, %arg5: memref<64x64xf32, #tpu.memory_space<vmem>>, %arg6: memref<1x64xf32, #tpu.memory_space<vmem>>, %arg7: memref<1024x128xf32, #tpu.memory_space<vmem>>) attributes {dimension_semantics = [#tpu.dimension_semantics<arbitrary>], iteration_bounds = array<i64: 16>, scalar_prefetch = 0 : i64, scratch_operands = 0 : i64, tpu.core_type = #tpu.core_type<tc>, window_params = [{transform_indices = @transform_0, window_bounds = array<i64: 1024, 64>}, {transform_indices = @transform_1, window_bounds = array<i64: 1024, 3>}, {pipeline_mode = #tpu.pipeline_mode<synchronous>, transform_indices = @transform_2, window_bounds = array<i64: 64, 64>}, {pipeline_mode = #tpu.pipeline_mode<synchronous>, transform_indices = @transform_3, window_bounds = array<i64: 1, 64>}, {pipeline_mode = #tpu.pipeline_mode<synchronous>, transform_indices = @transform_4, window_bounds = array<i64: 64, 64>}, {pipeline_mode = #tpu.pipeline_mode<synchronous>, transform_indices = @transform_5, window_bounds = array<i64: 1, 64>}, {transform_indices = @transform_6, window_bounds = array<i64: 1024, 128>}]} {
    %get3A = arith.constant 0 : index
    %get3A_0 = arith.constant 0 : index
    %get3A_1 = vector.load %arg1[%get3A, %get3A_0] : memref<1024x64xf32, #tpu.memory_space<vmem>>, vector<1024x64xf32>
    %get3A_2 = arith.constant 0 : index
    %get3A_3 = arith.constant 0 : index
    %get3A_4 = vector.load %arg3[%get3A_2, %get3A_3] : memref<64x64xf32, #tpu.memory_space<vmem>>, vector<64x64xf32>
    %dot_general3A = arith.constant dense<0.000000e+00> : vector<1024x64xf32>
    %dot_general3A_5 = tpu.matmul %get3A_1, %get3A_4, %dot_general3A {dimension_numbers = #tpu.dot_dimension_numbers<[1], [0], [0], [1], [0, 0, 1, 1], [], []>, transpose_lhs_hint = false} : vector<1024x64xf32>, vector<64x64xf32>, vector<1024x64xf32> -> vector<1024x64xf32>
    %get3A_6 = arith.constant 0 : index
    %get3A_7 = arith.constant 0 : index
    %get3A_8 = vector.load %arg4[%get3A_6, %get3A_7] : memref<1x64xf32, #tpu.memory_space<vmem>>, vector<1x64xf32>
    %add3A = vector.broadcast %get3A_8 : vector<1x64xf32> to vector<1024x64xf32>
    %add3A_9 = arith.addf %dot_general3A_5, %add3A : vector<1024x64xf32>
    %get3A_10 = arith.constant 0 : index
    %get3A_11 = arith.constant 0 : index
    %get3A_12 = vector.load %arg5[%get3A_10, %get3A_11] : memref<64x64xf32, #tpu.memory_space<vmem>>, vector<64x64xf32>
    %dot_general3A_13 = arith.constant dense<0.000000e+00> : vector<1024x64xf32>
    %dot_general3A_14 = tpu.matmul %get3A_1, %get3A_12, %dot_general3A_13 {dimension_numbers = #tpu.dot_dimension_numbers<[1], [0], [0], [1], [0, 0, 1, 1], [], []>, transpose_lhs_hint = false} : vector<1024x64xf32>, vector<64x64xf32>, vector<1024x64xf32> -> vector<1024x64xf32>
    %get3A_15 = arith.constant 0 : index
    %get3A_16 = arith.constant 0 : index
    %get3A_17 = vector.load %arg6[%get3A_15, %get3A_16] : memref<1x64xf32, #tpu.memory_space<vmem>>, vector<1x64xf32>
    %add3A_18 = vector.broadcast %get3A_17 : vector<1x64xf32> to vector<1024x64xf32>
    %add3A_19 = arith.addf %dot_general3A_14, %add3A_18 : vector<1024x64xf32>
    %slice3A = vector.extract_strided_slice %add3A_19 {offsets = [0, 0], sizes = [1024, 32], strides = [1, 1]} : vector<1024x64xf32> to vector<1024x32xf32>
    %convert_element_type3A = arith.truncf %slice3A : vector<1024x32xf32> to vector<1024x32xbf16>
    %bitcast_convert_type3A = tpu.bitcast %convert_element_type3A : vector<1024x32xbf16> -> vector<1024x32xi16>
    %convert_element_type3A_20 = arith.extui %bitcast_convert_type3A : vector<1024x32xi16> to vector<1024x32xi32>
    %slice3A_21 = vector.extract_strided_slice %add3A_19 {offsets = [0, 32], sizes = [1024, 32], strides = [1, 1]} : vector<1024x64xf32> to vector<1024x32xf32>
    %convert_element_type3A_22 = arith.truncf %slice3A_21 : vector<1024x32xf32> to vector<1024x32xbf16>
    %bitcast_convert_type3A_23 = tpu.bitcast %convert_element_type3A_22 : vector<1024x32xbf16> -> vector<1024x32xi16>
    %convert_element_type3A_24 = arith.extui %bitcast_convert_type3A_23 : vector<1024x32xi16> to vector<1024x32xi32>
    %shift_left3A = arith.constant 16 : i32
    %shift_left3A_25 = vector.broadcast %shift_left3A : i32 to vector<1024x32xi32>
    %shift_left3A_26 = arith.shli %convert_element_type3A_24, %shift_left3A_25 : vector<1024x32xi32>
    %or3A = arith.ori %convert_element_type3A_20, %shift_left3A_26 : vector<1024x32xi32>
    %bitcast_convert_type3A_27 = tpu.bitcast %or3A : vector<1024x32xi32> -> vector<1024x32xf32>
    %broadcast_in_dim3A = arith.constant 0.000000e+00 : f32
    %broadcast_in_dim3A_28 = vector.broadcast %broadcast_in_dim3A : f32 to vector<1024x29xf32>
    %get3A_29 = arith.constant 0 : index
    %get3A_30 = arith.constant 0 : index
    %get3A_31 = vector.load %arg2[%get3A_29, %get3A_30] : memref<1024x3xf32, #tpu.memory_space<vmem>>, vector<1024x3xf32>
    %concatenate3A = tpu.concatenate %add3A_9, %bitcast_convert_type3A_27, %get3A_31, %broadcast_in_dim3A_28 in 1 : vector<1024x64xf32>, vector<1024x32xf32>, vector<1024x3xf32>, vector<1024x29xf32> -> vector<1024x128xf32>
    %swap3A = arith.constant 0 : index
    %swap3A_32 = arith.constant 0 : index
    %swap3A_33 = vector.load %arg7[%swap3A, %swap3A_32] : memref<1024x128xf32, #tpu.memory_space<vmem>>, vector<1024x128xf32>
    tpu.vector_store %arg7[%swap3A, %swap3A_32], %concatenate3A {strides = array<i32>} : memref<1024x128xf32, #tpu.memory_space<vmem>>, vector<1024x128xf32>,
    return
  }
  func.func @transform_0(%arg0: i32) -> (i32, i32) {
    %c0_i32 = arith.constant 0 : i32
    %c0_i32_0 = arith.constant 0 : i32
    return %arg0, %c0_i32 : i32, i32
  }
  func.func @transform_1(%arg0: i32) -> (i32, i32) {
    %c0_i32 = arith.constant 0 : i32
    %c0_i32_0 = arith.constant 0 : i32
    return %arg0, %c0_i32 : i32, i32
  }
  func.func @transform_2(%arg0: i32) -> (i32, i32) {
    %c0_i32 = arith.constant 0 : i32
    %c0_i32_0 = arith.constant 0 : i32
    %c0_i32_1 = arith.constant 0 : i32
    return %c0_i32, %c0_i32_0 : i32, i32
  }
  func.func @transform_3(%arg0: i32) -> (i32, i32) {
    %c0_i32 = arith.constant 0 : i32
    %c0_i32_0 = arith.constant 0 : i32
    %c0_i32_1 = arith.constant 0 : i32
    return %c0_i32, %c0_i32_0 : i32, i32
  }
  func.func @transform_4(%arg0: i32) -> (i32, i32) {
    %c0_i32 = arith.constant 0 : i32
    %c0_i32_0 = arith.constant 0 : i32
    %c0_i32_1 = arith.constant 0 : i32
    return %c0_i32, %c0_i32_0 : i32, i32
  }
  func.func @transform_5(%arg0: i32) -> (i32, i32) {
    %c0_i32 = arith.constant 0 : i32
    %c0_i32_0 = arith.constant 0 : i32
    %c0_i32_1 = arith.constant 0 : i32
    return %c0_i32, %c0_i32_0 : i32, i32
  }
  func.func @transform_6(%arg0: i32) -> (i32, i32) {
    %c0_i32 = arith.constant 0 : i32
    %c0_i32_0 = arith.constant 0 : i32
    return %arg0, %c0_i32 : i32, i32
  }
}

module attributes {stable_mosaic.version = 14 : i64} {
  func.func @_fused_body(%arg0: i32, %arg1: memref<512x64xf32, #tpu.memory_space<vmem>>, %arg2: memref<512x4xf32, #tpu.memory_space<vmem>>, %arg3: memref<8192x128xf32, #tpu.memory_space<vmem>>, %arg4: memref<64x64xf32, #tpu.memory_space<vmem>>, %arg5: memref<1x64xf32, #tpu.memory_space<vmem>>, %arg6: memref<4x64xf32, #tpu.memory_space<vmem>>, %arg7: memref<64x64xf32, #tpu.memory_space<vmem>>, %arg8: memref<64x64xf32, #tpu.memory_space<vmem>>, %arg9: memref<1x64xf32, #tpu.memory_space<vmem>>, %arg10: memref<64x64xf32, #tpu.memory_space<vmem>>, %arg11: memref<64x64xf32, #tpu.memory_space<vmem>>, %arg12: memref<1x64xf32, #tpu.memory_space<vmem>>, %arg13: memref<512x64xf32, #tpu.memory_space<vmem>>) attributes {dimension_semantics = [#tpu.dimension_semantics<arbitrary>], iteration_bounds = array<i64: 32>, scalar_prefetch = 0 : i64, scratch_operands = 0 : i64, tpu.core_type = #tpu.core_type<tc>, window_params = [{transform_indices = @transform_0, window_bounds = array<i64: 512, 64>}, {transform_indices = @transform_1, window_bounds = array<i64: 512, 4>}, {transform_indices = @transform_2, window_bounds = array<i64: 8192, 128>}, {pipeline_mode = #tpu.pipeline_mode<synchronous>, transform_indices = @transform_3, window_bounds = array<i64: 64, 64>}, {pipeline_mode = #tpu.pipeline_mode<synchronous>, transform_indices = @transform_4, window_bounds = array<i64: 1, 64>}, {pipeline_mode = #tpu.pipeline_mode<synchronous>, transform_indices = @transform_5, window_bounds = array<i64: 4, 64>}, {pipeline_mode = #tpu.pipeline_mode<synchronous>, transform_indices = @transform_6, window_bounds = array<i64: 64, 64>}, {pipeline_mode = #tpu.pipeline_mode<synchronous>, transform_indices = @transform_7, window_bounds = array<i64: 64, 64>}, {pipeline_mode = #tpu.pipeline_mode<synchronous>, transform_indices = @transform_8, window_bounds = array<i64: 1, 64>}, {pipeline_mode = #tpu.pipeline_mode<synchronous>, transform_indices = @transform_9, window_bounds = array<i64: 64, 64>}, {pipeline_mode = #tpu.pipeline_mode<synchronous>, transform_indices = @transform_10, window_bounds = array<i64: 64, 64>}, {pipeline_mode = #tpu.pipeline_mode<synchronous>, transform_indices = @transform_11, window_bounds = array<i64: 1, 64>}, {transform_indices = @transform_12, window_bounds = array<i64: 512, 64>}]} {
    %get3A = arith.constant 0 : index
    %get3A_0 = arith.constant 0 : index
    %get3A_1 = vector.load %arg1[%get3A, %get3A_0] : memref<512x64xf32, #tpu.memory_space<vmem>>, vector<512x64xf32>
    %get3A_2 = arith.constant 0 : index
    %get3A_3 = arith.constant 0 : index
    %get3A_4 = vector.load %arg4[%get3A_2, %get3A_3] : memref<64x64xf32, #tpu.memory_space<vmem>>, vector<64x64xf32>
    %dot_general3A = arith.constant dense<0.000000e+00> : vector<512x64xf32>
    %dot_general3A_5 = tpu.matmul %get3A_1, %get3A_4, %dot_general3A {dimension_numbers = #tpu.dot_dimension_numbers<[1], [0], [0], [1], [0, 0, 1, 1], [], []>, transpose_lhs_hint = false} : vector<512x64xf32>, vector<64x64xf32>, vector<512x64xf32> -> vector<512x64xf32>
    %get3A_6 = arith.constant 0 : index
    %get3A_7 = arith.constant 0 : index
    %get3A_8 = vector.load %arg5[%get3A_6, %get3A_7] : memref<1x64xf32, #tpu.memory_space<vmem>>, vector<1x64xf32>
    %add3A = vector.broadcast %get3A_8 : vector<1x64xf32> to vector<512x64xf32>
    %add3A_9 = arith.addf %dot_general3A_5, %add3A : vector<512x64xf32>
    %get3A_10 = arith.constant 0 : index
    %get3A_11 = arith.constant 0 : index
    %get3A_12 = vector.load %arg2[%get3A_10, %get3A_11] : memref<512x4xf32, #tpu.memory_space<vmem>>, vector<512x4xf32>
    %get3A_13 = arith.constant 0 : index
    %get3A_14 = arith.constant 0 : index
    %get3A_15 = vector.load %arg3[%get3A_13, %get3A_14] : memref<8192x128xf32, #tpu.memory_space<vmem>>, vector<8192x128xf32>
    %slice3A = vector.extract_strided_slice %get3A_15 {offsets = [0, 0], sizes = [8192, 64], strides = [1, 1]} : vector<8192x128xf32> to vector<8192x64xf32>
    %slice3A_16 = vector.extract_strided_slice %get3A_15 {offsets = [0, 64], sizes = [8192, 32], strides = [1, 1]} : vector<8192x128xf32> to vector<8192x32xf32>
    %bitcast_convert_type3A = tpu.bitcast %slice3A_16 : vector<8192x32xf32> -> vector<8192x32xi32>
    %and3A = arith.constant 65535 : i32
    %and3A_17 = vector.broadcast %and3A : i32 to vector<8192x32xi32>
    %and3A_18 = arith.andi %bitcast_convert_type3A, %and3A_17 : vector<8192x32xi32>
    %convert_element_type3A = arith.trunci %and3A_18 : vector<8192x32xi32> to vector<8192x32xi16>
    %shift_right_logical3A = arith.constant 16 : i32
    %shift_right_logical3A_19 = vector.broadcast %shift_right_logical3A : i32 to vector<8192x32xi32>
    %shift_right_logical3A_20 = arith.shrui %bitcast_convert_type3A, %shift_right_logical3A_19 : vector<8192x32xi32>
    %convert_element_type3A_21 = arith.trunci %shift_right_logical3A_20 : vector<8192x32xi32> to vector<8192x32xi16>
    %bitcast_convert_type3A_22 = tpu.bitcast %convert_element_type3A : vector<8192x32xi16> -> vector<8192x32xbf16>
    %convert_element_type3A_23 = arith.extf %bitcast_convert_type3A_22 : vector<8192x32xbf16> to vector<8192x32xf32>
    %bitcast_convert_type3A_24 = tpu.bitcast %convert_element_type3A_21 : vector<8192x32xi16> -> vector<8192x32xbf16>
    %convert_element_type3A_25 = arith.extf %bitcast_convert_type3A_24 : vector<8192x32xbf16> to vector<8192x32xf32>
    %concatenate3A = tpu.concatenate %convert_element_type3A_23, %convert_element_type3A_25 in 1 : vector<8192x32xf32>, vector<8192x32xf32> -> vector<8192x64xf32>
    %slice3A_26 = vector.extract_strided_slice %get3A_15 {offsets = [0, 96], sizes = [8192, 4], strides = [1, 1]} : vector<8192x128xf32> to vector<8192x4xf32>
    %get3A_27 = arith.constant 0 : index
    %get3A_28 = arith.constant 0 : index
    %get3A_29 = vector.load %arg6[%get3A_27, %get3A_28] : memref<4x64xf32, #tpu.memory_space<vmem>>, vector<4x64xf32>
    %dot_general3A_30 = arith.constant dense<0.000000e+00> : vector<8192x64xf32>
    %dot_general3A_31 = tpu.matmul %slice3A_26, %get3A_29, %dot_general3A_30 {dimension_numbers = #tpu.dot_dimension_numbers<[1], [0], [0], [1], [0, 0, 1, 1], [], []>, transpose_lhs_hint = false} : vector<8192x4xf32>, vector<4x64xf32>, vector<8192x64xf32> -> vector<8192x64xf32>
    %dot_general3A_32 = arith.constant dense<0.000000e+00> : vector<512x64xf32>
    %dot_general3A_33 = tpu.matmul %get3A_12, %get3A_29, %dot_general3A_32 {dimension_numbers = #tpu.dot_dimension_numbers<[1], [0], [0], [1], [0, 0, 1, 1], [], []>, transpose_lhs_hint = false} : vector<512x4xf32>, vector<4x64xf32>, vector<512x64xf32> -> vector<512x64xf32>
    %reshape3A = vector.shape_cast %dot_general3A_33 : vector<512x64xf32> to vector<512x1x64xf32>
    %reshape3A_34 = vector.shape_cast %dot_general3A_31 : vector<8192x64xf32> to vector<512x16x64xf32>
    %sub3A = vector.broadcast %reshape3A : vector<512x1x64xf32> to vector<512x16x64xf32>
    %sub3A_35 = arith.subf %sub3A, %reshape3A_34 : vector<512x16x64xf32>
    %max3A = arith.constant 0.000000e+00 : f32
    %max3A_36 = vector.broadcast %max3A : f32 to vector<512x16x64xf32>
    %max3A_37 = arith.maximumf %sub3A_35, %max3A_36 : vector<512x16x64xf32>
    %reshape3A_38 = vector.shape_cast %max3A_37 : vector<512x16x64xf32> to vector<8192x64xf32>
    %get3A_39 = arith.constant 0 : index
    %get3A_40 = arith.constant 0 : index
    %get3A_41 = vector.load %arg7[%get3A_39, %get3A_40] : memref<64x64xf32, #tpu.memory_space<vmem>>, vector<64x64xf32>
    %dot_general3A_42 = arith.constant dense<0.000000e+00> : vector<8192x64xf32>
    %dot_general3A_43 = tpu.matmul %reshape3A_38, %get3A_41, %dot_general3A_42 {dimension_numbers = #tpu.dot_dimension_numbers<[1], [0], [0], [1], [0, 0, 1, 1], [], []>, transpose_lhs_hint = false} : vector<8192x64xf32>, vector<64x64xf32>, vector<8192x64xf32> -> vector<8192x64xf32>
    %reshape3A_44 = vector.shape_cast %add3A_9 : vector<512x64xf32> to vector<512x1x64xf32>
    %reshape3A_45 = vector.shape_cast %slice3A : vector<8192x64xf32> to vector<512x16x64xf32>
    %sub3A_46 = vector.broadcast %reshape3A_44 : vector<512x1x64xf32> to vector<512x16x64xf32>
    %sub3A_47 = arith.subf %sub3A_46, %reshape3A_45 : vector<512x16x64xf32>
    %reshape3A_48 = vector.shape_cast %dot_general3A_43 : vector<8192x64xf32> to vector<512x16x64xf32>
    %add3A_49 = arith.addf %sub3A_47, %reshape3A_48 : vector<512x16x64xf32>
    %reshape3A_50 = vector.shape_cast %add3A_49 : vector<512x16x64xf32> to vector<8192x64xf32>
    %get3A_51 = arith.constant 0 : index
    %get3A_52 = arith.constant 0 : index
    %get3A_53 = vector.load %arg8[%get3A_51, %get3A_52] : memref<64x64xf32, #tpu.memory_space<vmem>>, vector<64x64xf32>
    %dot_general3A_54 = arith.constant dense<0.000000e+00> : vector<8192x64xf32>
    %dot_general3A_55 = tpu.matmul %reshape3A_50, %get3A_53, %dot_general3A_54 {dimension_numbers = #tpu.dot_dimension_numbers<[1], [0], [0], [1], [0, 0, 1, 1], [], []>, transpose_lhs_hint = false} : vector<8192x64xf32>, vector<64x64xf32>, vector<8192x64xf32> -> vector<8192x64xf32>
    %get3A_56 = arith.constant 0 : index
    %get3A_57 = arith.constant 0 : index
    %get3A_58 = vector.load %arg9[%get3A_56, %get3A_57] : memref<1x64xf32, #tpu.memory_space<vmem>>, vector<1x64xf32>
    %add3A_59 = vector.broadcast %get3A_58 : vector<1x64xf32> to vector<8192x64xf32>
    %add3A_60 = arith.addf %dot_general3A_55, %add3A_59 : vector<8192x64xf32>
    %max3A_61 = arith.constant 0.000000e+00 : f32
    %max3A_62 = vector.broadcast %max3A_61 : f32 to vector<8192x64xf32>
    %max3A_63 = arith.maximumf %add3A_60, %max3A_62 : vector<8192x64xf32>
    %get3A_64 = arith.constant 0 : index
    %get3A_65 = arith.constant 0 : index
    %get3A_66 = vector.load %arg10[%get3A_64, %get3A_65] : memref<64x64xf32, #tpu.memory_space<vmem>>, vector<64x64xf32>
    %dot_general3A_67 = arith.constant dense<0.000000e+00> : vector<8192x64xf32>
    %dot_general3A_68 = tpu.matmul %max3A_63, %get3A_66, %dot_general3A_67 {dimension_numbers = #tpu.dot_dimension_numbers<[1], [0], [0], [1], [0, 0, 1, 1], [], []>, transpose_lhs_hint = false} : vector<8192x64xf32>, vector<64x64xf32>, vector<8192x64xf32> -> vector<8192x64xf32>
    %exp3A = math.exp %dot_general3A_68 : vector<8192x64xf32>
    %reshape3A_69 = vector.shape_cast %exp3A : vector<8192x64xf32> to vector<512x16x64xf32>
    %reduce_sum3A = arith.constant dense<0.000000e+00> : vector<512x64xf32>
    %reduce_sum3A_70 = vector.multi_reduction <add>, %reshape3A_69, %reduce_sum3A [1] : vector<512x16x64xf32> to vector<512x64xf32>
    %reshape3A_71 = vector.shape_cast %concatenate3A : vector<8192x64xf32> to vector<512x16x64xf32>
    %reshape3A_72 = vector.shape_cast %dot_general3A_43 : vector<8192x64xf32> to vector<512x16x64xf32>
    %add3A_73 = arith.addf %reshape3A_71, %reshape3A_72 : vector<512x16x64xf32>
    %mul3A = arith.mulf %reshape3A_69, %add3A_73 : vector<512x16x64xf32>
    %reduce_sum3A_74 = arith.constant dense<0.000000e+00> : vector<512x64xf32>
    %reduce_sum3A_75 = vector.multi_reduction <add>, %mul3A, %reduce_sum3A_74 [1] : vector<512x16x64xf32> to vector<512x64xf32>
    %div3A = arith.divf %reduce_sum3A_75, %reduce_sum3A_70 : vector<512x64xf32>
    %get3A_76 = arith.constant 0 : index
    %get3A_77 = arith.constant 0 : index
    %get3A_78 = vector.load %arg11[%get3A_76, %get3A_77] : memref<64x64xf32, #tpu.memory_space<vmem>>, vector<64x64xf32>
    %dot_general3A_79 = arith.constant dense<0.000000e+00> : vector<512x64xf32>
    %dot_general3A_80 = tpu.matmul %div3A, %get3A_78, %dot_general3A_79 {dimension_numbers = #tpu.dot_dimension_numbers<[1], [0], [0], [1], [0, 0, 1, 1], [], []>, transpose_lhs_hint = false} : vector<512x64xf32>, vector<64x64xf32>, vector<512x64xf32> -> vector<512x64xf32>
    %get3A_81 = arith.constant 0 : index
    %get3A_82 = arith.constant 0 : index
    %get3A_83 = vector.load %arg12[%get3A_81, %get3A_82] : memref<1x64xf32, #tpu.memory_space<vmem>>, vector<1x64xf32>
    %add3A_84 = vector.broadcast %get3A_83 : vector<1x64xf32> to vector<512x64xf32>
    %add3A_85 = arith.addf %dot_general3A_80, %add3A_84 : vector<512x64xf32>
    %swap3A = arith.constant 0 : index
    %swap3A_86 = arith.constant 0 : index
    %swap3A_87 = vector.load %arg13[%swap3A, %swap3A_86] : memref<512x64xf32, #tpu.memory_space<vmem>>, vector<512x64xf32>
    tpu.vector_store %arg13[%swap3A, %swap3A_86], %add3A_85 {strides = array<i32>} : memref<512x64xf32, #tpu.memory_space<vmem>>, vector<512x64xf32>,
    return
  }
  func.func @transform_0(%arg0: i32) -> (i32, i32) {
    %c0_i32 = arith.constant 0 : i32
    %c0_i32_0 = arith.constant 0 : i32
    return %arg0, %c0_i32 : i32, i32
  }
  func.func @transform_1(%arg0: i32) -> (i32, i32) {
    %c0_i32 = arith.constant 0 : i32
    %c0_i32_0 = arith.constant 0 : i32
    return %arg0, %c0_i32 : i32, i32
  }
  func.func @transform_2(%arg0: i32) -> (i32, i32) {
    %c0_i32 = arith.constant 0 : i32
    %c0_i32_0 = arith.constant 0 : i32
    return %arg0, %c0_i32 : i32, i32
  }
  func.func @transform_3(%arg0: i32) -> (i32, i32) {
    %c0_i32 = arith.constant 0 : i32
    %c0_i32_0 = arith.constant 0 : i32
    %c0_i32_1 = arith.constant 0 : i32
    return %c0_i32, %c0_i32_0 : i32, i32
  }
  func.func @transform_4(%arg0: i32) -> (i32, i32) {
    %c0_i32 = arith.constant 0 : i32
    %c0_i32_0 = arith.constant 0 : i32
    %c0_i32_1 = arith.constant 0 : i32
    return %c0_i32, %c0_i32_0 : i32, i32
  }
  func.func @transform_5(%arg0: i32) -> (i32, i32) {
    %c0_i32 = arith.constant 0 : i32
    %c0_i32_0 = arith.constant 0 : i32
    %c0_i32_1 = arith.constant 0 : i32
    return %c0_i32, %c0_i32_0 : i32, i32
  }
  func.func @transform_6(%arg0: i32) -> (i32, i32) {
    %c0_i32 = arith.constant 0 : i32
    %c0_i32_0 = arith.constant 0 : i32
    %c0_i32_1 = arith.constant 0 : i32
    return %c0_i32, %c0_i32_0 : i32, i32
  }
  func.func @transform_7(%arg0: i32) -> (i32, i32) {
    %c0_i32 = arith.constant 0 : i32
    %c0_i32_0 = arith.constant 0 : i32
    %c0_i32_1 = arith.constant 0 : i32
    return %c0_i32, %c0_i32_0 : i32, i32
  }
  func.func @transform_8(%arg0: i32) -> (i32, i32) {
    %c0_i32 = arith.constant 0 : i32
    %c0_i32_0 = arith.constant 0 : i32
    %c0_i32_1 = arith.constant 0 : i32
    return %c0_i32, %c0_i32_0 : i32, i32
  }
  func.func @transform_9(%arg0: i32) -> (i32, i32) {
    %c0_i32 = arith.constant 0 : i32
    %c0_i32_0 = arith.constant 0 : i32
    %c0_i32_1 = arith.constant 0 : i32
    return %c0_i32, %c0_i32_0 : i32, i32
  }
  func.func @transform_10(%arg0: i32) -> (i32, i32) {
    %c0_i32 = arith.constant 0 : i32
    %c0_i32_0 = arith.constant 0 : i32
    %c0_i32_1 = arith.constant 0 : i32
    return %c0_i32, %c0_i32_0 : i32, i32
  }
  func.func @transform_11(%arg0: i32) -> (i32, i32) {
    %c0_i32 = arith.constant 0 : i32
    %c0_i32_0 = arith.constant 0 : i32
    %c0_i32_1 = arith.constant 0 : i32
    return %c0_i32, %c0_i32_0 : i32, i32
  }
  func.func @transform_12(%arg0: i32) -> (i32, i32) {
    %c0_i32 = arith.constant 0 : i32
    %c0_i32_0 = arith.constant 0 : i32
    return %arg0, %c0_i32 : i32, i32
  }
}

</mosaic_0001>

<sc_bundles>
// kernel: kernel.11.cloned.1.call-start
scs
__scs_entry_jumppad:
0x0: {  	(pc) =	sbr.rel $0x88, $3  }
0x1: {  	(tag) =	ssettag $0x0;
	lr =	simm.s32 $0x1  }
0x2: {  	[smem:$0x3F8F] =	sst lr;
	_ =	strace $0xD0000000  }
0x3: {  	_ = 	snop  }
0x4: {  	_ = 	snop  }
0x5: {  	_ = 	snop  }
0x6: {  	_ = 	snop  }
0x7: {  	_ = 	snop  }
__scs_overlays_trampoline_lowered:
0x8: {  	[smem:$0x3F9E] =	sst s0  }
0x9: {  	[smem:$0x3F9F] =	sst s1  }
0xa: {  	[smem:$0x3FA0] =	sst s2  }
0xb: {  	[smem:$0x3FA1] =	sst s3  }
0xc: {  	[smem:$0x3FA2] =	sst s4  }
0xd: {  	[smem:$0x3FA3] =	sst s5  }
0xe: {  	[smem:$0x3FA4] =	sst s6  }
0xf: {  	[smem:$0x3FA5] =	sst s7  }
0x10: {  	[smem:$0x3FA6] =	sst s8  }
0x11: {  	[smem:$0x3FA7] =	sst s9;
	s0 =	simm.s32 @!p0 $0x0  }
0x12: {  	s1 =	sld [smem:$0x3F8D];
	s0 =	simm.s32 @p0 $0x1  }
0x13: {  	[smem:$0x3FA8] =	sst s0;
	s0 =	simm.s32 @!p1 $0x0  }
0x14: {  	s2 =	sld [smem:$0x3F8C];
	s0 =	simm.s32 @p1 $0x1  }
0x15: {  	[smem:$0x3FA9] =	sst s0;
	s0 =	simm.s32 @!p2 $0x0  }
0x16: {  	s3 =	sld [smem:$0x3FDB];
	s0 =	simm.s32 @p2 $0x1  }
0x17: {  	s4 =	simm.s32 $0x1BF5;
	[smem:$0x3FAB] =	sst s0  }
0x18: {  	s0 =	sld [smem:$0x3F8E];
	_ =	swait.ge [sflag:s4], $0x0  }
0x19: {  	s7 =	sld [smem:$0x3F8F]  }
0x1a: {  	s8 =	sadd.s32 $0xFFFFE003, lr  }
0x1b: {  	s9 =	sadd.s32 $0xFFFFFEF7, lr;
	s5 =	simm.s32 $0xFFFFFFFF;
	p2 =	slt.u32 s8, $0xFFFFF086  }
0x1c: {  	p1 =	slt.u32 s9, $0xF7A;
	s5 =	simm.s32 @!p2 $0x0  }
0x1d: {  	s5 =	simm.s32 @p1 $0x1;
	p0 =	seq.s32 s7, s2  }
0x1e: {  	s7 =	smul.u32 @!p0 $0xF7A, s2;
	p2 =	seq.s32 @!p0 s5, $0x0  }
0x1f: {  	s9 =	smul.u32 $0xF7A, s1;
	s8 =	simm.s32 @!p0 $0x1BF5;
	p2 =	por !p2, p0  }
0x20: {  	[sflag:s8] =	ssyncset.s32 @!p0 $0xFFFFF086;
	s6 =	sadd.s32 @!p0 s3, s7;
	s7 =	simm.s32 @!p0 $0x108  }
0x21: {  	s3 =	sadd.s32 s3, s9;
	s6 =	sadd.s32 @!p0 $0x88, s6;
	s7 =	simm.s32 @p2 $0x1082  }
0x22: {  	[simem:s7], [sflag:s8] =	dma.local @!p0 [hbm:s6], $0xF7A  }
0x23: {  	s9 =	sor.u32 $0xD0000000, s2;
	s6 =	simm.s32 $0x108;
	_ =	swait.ge @!p0 [sflag:s8], $0x0  }
0x24: {  	s3 =	sadd.s32 $0x88, s3;
	s6 =	simm.s32 @!p1 $0x1082;
	[sflag:s4] =	ssyncset.s32 $0xFFFFF086  }
0x25: {  	[simem:s6], [sflag:s4] =	dma.local [hbm:s3], $0xF7A  }
0x26: {  	[smem:$0x3F8F] =	sst s1;
	(tag) =	ssettag s2;
	_ =	strace s9  }
0x27: {  	s1 =	sld [smem:$0x3F9F]  }
0x28: {  	s2 =	sld [smem:$0x3FA0]  }
0x29: {  	s4 =	sld [smem:$0x3FA2]  }
0x2a: {  	p0 =	seq.s32 s5, $0x0;
	s5 =	sld [smem:$0x3FA3]  }
0x2b: {  	s6 =	sld [smem:$0x3FA4]  }
0x2c: {  	s7 =	sld [smem:$0x3FA5]  }
0x2d: {  	s3 =	simm.s32 $0x108;
	s8 =	sld [smem:$0x3FA6]  }
0x2e: {  	s3 =	simm.s32 @!p0 $0x1082;
	s9 =	sld [smem:$0x3FA7]  }
0x2f: {  	lr =	sadd.s32 s0, s3;
	s0 =	sld [smem:$0x3F9E]  }
0x30: {  	s3 =	sld [smem:$0x3FA1]  }
0x31: {  	[smem:$0x3FAA] =	sst s10  }
0x32: {  	s10 =	sld [smem:$0x3FA8];
	_ =	sdelay $0x3  }
0x33: {  	p0 =	seq.s32 s10, $0x1;
	s10 =	sld [smem:$0x3FAA];
	_ =	sdelay $0x3  }
0x34: {  	[smem:$0x3FAA] =	sst s10  }
0x35: {  	s10 =	sld [smem:$0x3FA9];
	_ =	sdelay $0x3  }
0x36: {  	p1 =	seq.s32 s10, $0x1;
	s10 =	sld [smem:$0x3FAA];
	_ =	sdelay $0x3  }
0x37: {  	[smem:$0x3FAA] =	sst s10  }
0x38: {  	s10 =	sld [smem:$0x3FAB]  }
0x39: {  	_ = 	snop;
	(pc) =	sbr.ind lr, $3  }
0x3a: {  	_ = 	snop  }
0x3b: {  	_ = 	snop  }
0x3c: {  	p2 =	seq.s32 s10, $0x1;
	s10 =	sld [smem:$0x3FAA]  }
0x3d: {  	_ =	shalt  }
0x3e: {  	_ =	shalt  }
0x3f: {  	_ =	shalt  }
0x40: {  	_ =	shalt  }
0x41: {  	_ =	shalt  }
0x42: {  	_ =	shalt  }
0x43: {  	_ =	shalt  }
0x44: {  	_ =	shalt  }
0x45: {  	_ =	shalt  }
0x46: {  	_ =	shalt  }
0x47: {  	_ =	shalt  }
0x48: {  	_ =	shalt  }
0x49: {  	_ =	shalt  }
0x4a: {  	_ =	shalt  }
0x4b: {  	_ =	shalt  }
0x4c: {  	_ =	shalt  }
0x4d: {  	_ =	shalt  }
0x4e: {  	_ =	shalt  }
0x4f: {  	_ =	shalt  }
0x50: {  	_ =	shalt  }
0x51: {  	_ =	shalt  }
0x52: {  	_ =	shalt  }
0x53: {  	_ =	shalt  }
0x54: {  	_ =	shalt  }
0x55: {  	_ =	shalt  }
0x56: {  	_ =	shalt  }
0x57: {  	_ =	shalt  }
0x58: {  	_ =	shalt  }
0x59: {  	_ =	shalt  }
0x5a: {  	_ =	shalt  }
0x5b: {  	_ =	shalt  }
0x5c: {  	_ =	shalt  }
0x5d: {  	_ =	shalt  }
0x5e: {  	_ =	shalt  }
0x5f: {  	_ =	shalt  }
0x60: {  	_ =	shalt  }
0x61: {  	_ =	shalt  }
0x62: {  	_ =	shalt  }
0x63: {  	_ =	shalt  }
0x64: {  	_ =	shalt  }
0x65: {  	_ =	shalt  }
0x66: {  	_ =	shalt  }
0x67: {  	_ =	shalt  }
0x68: {  	_ =	shalt  }
0x69: {  	_ =	shalt  }
0x6a: {  	_ =	shalt  }
0x6b: {  	_ =	shalt  }
0x6c: {  	_ =	shalt  }
0x6d: {  	_ =	shalt  }
0x6e: {  	_ =	shalt  }
0x6f: {  	_ =	shalt  }
0x70: {  	_ =	shalt  }
0x71: {  	_ =	shalt  }
0x72: {  	_ =	shalt  }
0x73: {  	_ =	shalt  }
0x74: {  	_ =	shalt  }
0x75: {  	_ =	shalt  }
0x76: {  	_ =	shalt  }
0x77: {  	_ =	shalt  }
0x78: {  	_ =	shalt  }
0x79: {  	_ =	shalt  }
0x7a: {  	_ =	shalt  }
0x7b: {  	_ =	shalt  }
0x7c: {  	_ =	shalt  }
0x7d: {  	_ =	shalt  }
0x7e: {  	_ =	shalt  }
0x7f: {  	_ =	shalt  }
0x80: {  	_ =	shalt  }
0x81: {  	_ =	shalt  }
0x82: {  	_ =	shalt  }
0x83: {  	_ =	shalt  }
0x84: {  	_ =	shalt  }
0x85: {  	_ =	shalt  }
0x86: {  	_ =	shalt  }
0x87: {  	_ =	shalt  }
.Lfunc_end0:
.L_simem_size_0:
called_computation.1_lowered:
.L_overlay_start_0:
0x88: {  	s2 =	sld [smem:$0x3FD9]  }
0x89: {  	s3 =	sld [smem:$0x3FFE];
	_ =	sdelay $0x1  }
0x8a: {  	s1 =	srdreg.scid  }
0x8b: {  	s0 =	sand.u32 $0x1, s1  }
0x8c: {  	s16 =	sshll.u32 s0, $0xA;
	s2 =	sadd.s32 s3, s2  }
0x8d: {  	s2 =	sadd.s32 s2, s16  }
0x8e: {  	[smem:$0x3FB6] =	sst s2  }
0x8f: {  	_ = 	snop  }
0x90: {  	(tm) =	ssettm $0x1  }
0x91: {  	s17 =	sld [smem:$0x3FFB];
	_ =	sdelay $0x3  }
0x92: {  	_ =	strace s17  }
0x93: {  	s2 =	sld [smem:$0x3FFC];
	_ =	sdelay $0x3  }
0x94: {  	_ =	strace s2  }
0x95: {  	s2 =	sld [smem:$0x3FFD];
	_ =	sdelay $0x3  }
0x96: {  	_ =	strace s2  }
0x97: {  	_ =	strace $0x8FFFFFFF  }
0x98: {  	s18 =	sld [smem:$0x3FDB];
	_ =	sdelay $0x1  }
0x99: {  	s19 =	simm.s32 $_scs_section_size  }
0x9a: {  	s4 =	simm.s32 $_size__tile_overlayer_lowered;
	s5 =	simm.s32 $_tile_overlayer_lowered  }
0x9b: {  	s22 =	simm.s32 $0x1BFF;
	s21 =	sshll.u32 s5, $0x1;
	s2 =	sadd.s32 s19, s18  }
0x9c: {  	s6 =	simm.s32 $0x0;
	s20 =	sshll.u32 s4, $0x1;
	s4 =	sadd.s32 s21, s2  }
0x9d: {  	[timem:s6], [sflag:s22] =	dma.local [hbm:s4], s20  }
0x9e: {  	_ =	swait.ge [sflag:s22], s20  }
0x9f: {  	s3 =	ssub.s32 $0x0, s20;
	[sflag:s22] =	ssyncset.done $0x0  }
0xa0: {  	[sflag:s22] =	ssyncadd.s32 s3;
	_ =	sdelay $0x1  }
0xa1: {  	s23 =	simm.s32 $0x1B8B  }
0xa2: {  	_ =	swait.ge [sflag:s23], $0x1  }
0xa3: {  	[sflag:s23] =	ssyncset.done $0x0  }
0xa4: {  	s25 =	simm.s32 $0x1B8E;
	s24 =	sld [smem:$0x3FFE];
	[sflag:s23] =	ssyncadd.s32 $0xFFFFFFFF  }
0xa5: {  	s26 =	simm.s32 $execute0_lowered;
	[smem:$0x3FD2] =	sst s25  }
0xa6: {  	s4 =	sshll.u32 s26, $0x1;
	_ =	strace $0x80000046;
	[dreg:$0x1] =	wrdreg $0xFFFFFFFF  }
0xa7: {  	s28 =	simm.s32 $_size_execute0_lowered;
	s2 =	sadd.s32 s2, s4;
	[dreg:$0x0] =	wrdreg $0x0  }
0xa8: {  	s4 =	sshll.u32 s28, $0x1;
	[dreg:$0x2] =	wrdreg s2  }
0xa9: {  	[dreg:$0x3] =	wrdreg s4  }
0xaa: {  	[dreg:$0x4] =	wrdreg $0xC0  }
0xab: {  	_ =	task [dreg:s6], $0x5FFFF  }
0xac: {  	[dreg:$0x1] =	wrdreg $0xFFFFFFFF  }
0xad: {  	[dreg:$0x0] =	wrdreg $0x60  }
0xae: {  	[dreg:$0x2] =	wrdreg s24  }
0xaf: {  	[dreg:$0x3] =	wrdreg $0xA  }
0xb0: {  	_ =	task.clear_ibuf [dreg:s6], $0x4FFFF;
	_ =	strace $0x90000046  }
0xb1: {  	s29 =	simm.s32 $0xA;
	_ =	strace $0x80000048  }
0xb2: {  	_ =	swait.ge [sflag:s29], $0x1  }
0xb3: {  	[sflag:s29] =	ssyncadd.s32 $0xFFFFFFFF  }
0xb4: {  	_ =	strace $0x90000048  }
0xb5: {  	_ =	sfence  }
0xb6: {  	s30 =	sld [smem:$0x0];
	_ =	sdelay $0x2  }
0xb7: {  	s31 =	sshll.u32 s1, $0xD;
	s1 =	sshrl.u32 s1, $0x2  }
0xb8: {  	s3 =	sand.u32 $0x4000, s31;
	s1 =	sadd.s32 s1, s30  }
0xb9: {  	s0 =	sor.u32 s3, s0;
	s1 =	sshll.u32 s1, $0x11  }
0xba: {  	s0 =	sor.u32 s1, s0  }
0xbb: {  	s0 =	sadd.s32 $0x8F2B, s0  }
0xbc: {  	[sflag:s0] =	ssyncadd.remote.s32 $0x1  }
0xbd: {  	_ =	sfence.sel $0xFFFF  }
0xbe: {  	[dreg:$0x0] =	wrdreg $0xFFFFFFFF;
	(pc) =	sbr.abs _section_cstart, $3  }
0xbf: {  	[dreg:$0x1] =	wrdreg $0xFFFFFFFF  }
0xc0: {  	_ =	task.clear_ibuf [dreg:s6], $0x2FFFF;
	_ =	strace $0x9FFFFFFF  }
0xc1: {  	(tm) =	ssettm $0x7FFFFFFF  }
tec
execute0_lowered:
.L_overlay_start_1:
0x0: {  	(tag) =	ssettag $0x1  }
0x1: {  	s4 =	rddreg [dreg:$0x0]  }
0x2: {  	s0 =	rddreg [dreg:$0x1];
	s3 =	srdreg.scid  }
0x3: {  	s1 =	stileid.u32;
	s2 =	simm.s32 $0x0;
	s11 =	simm.s32 $0x2000  }
0x4: {  	s12 =	simm.s32 $0x6000;
	s13 =	simm.s32 $0x1;
	s14 =	simm.s32 $0x2  }
0x5: {  	s15 =	simm.s32 $0x3;
	s16 =	simm.s32 $0x4;
	s17 =	simm.s32 $0x0  }
0x6: {  	s6 =	sand.u32 $0x1, s3;
	s26 =	sshll.u32 s1, $0x1;
	[smem:$0x7FF] =	sst s2  }
0x7: {  	s3 =	sadd.s32 $0xA6000, s4;
	s10 =	sadd.s32 $0x136800, s4;
	s29 =	sshll.u32 s1, $0x12  }
0x8: {  	s5 =	sor.u32 s6, s26;
	_ =	strace $0x80000047;
	s8 =	ssub.s32 $0x2, s6  }
0x9: {  	s30 =	sadd.s32 s29, s10;
	s31 =	sshll.u32 s6, $0x11;
	s7 =	sshll.u32 s5, $0xA  }
0xa: {  	s9 =	sshrl.u32 s8, $0x1;
	s5 =	sshll.u32 s5, $0x11;
	s7 =	sadd.s32 s7, s4  }
0xb: {  	s8 =	ssub.s32 s8, s9;
	s28 =	sadd.s32 s10, s5;
	s9 =	simm.s32 $0x5  }
0xc: {  	s10 =	simm.s32 $0x80;
	s4 =	sadd.s32 $0x12E800, s7;
	s5 =	smax.u32 s8, $0x1  }
0xd: {  	s6 =	sadd.s32 $0x1F000, s28;
	s7 =	sadd.s32 $0x1F800, s28;
	s8 =	sadd.s32 s31, s30  }
.LBB2_1:
0xe: {  	[tilespmem:s2], [sflag:$0x5] =	stream.linear.gather [hbm4b:s4+s2], $0x2000, $0x38;
	[tilespmem:$0xA000] =	vst v63  }
0xf: {  	_ =	swait.ge [sflag:s9], $0x2000  }
0x10: {  	[sflag:s9] =	ssyncset.done $0x0  }
0x11: {  	[sflag:s9] =	ssyncadd.s32 $0xFFFFE000  }
0x12: {  	[tilespmem:s11], [sflag:$0x1] =	stream.indirect.gather [hbm4b:s3+s10], $0x80, s2, s10, $0xb8;
	[tilespmem:$0xA000] =	vst v63  }
0x13: {  	_ = 	snop  }
0x14: {  	[tilespmem:s12], [sflag:$0x2] =	stream.indirect.gather [hbm4b:s3+s10], $0x80, s10, s10, $0xb8;
	[tilespmem:$0xA000] =	vst v63  }
0x15: {  	_ =	swait.ge [sflag:s13], $0x4000  }
0x16: {  	[sflag:s13] =	ssyncset.done $0x0  }
0x17: {  	s18 =	sadd.s32 $0x0, s8;
	[sflag:s13] =	ssyncadd.s32 $0xFFFFC000  }
0x18: {  	[hbm4b:s18+s2] =	stream.linear.scatter [tilespmem:s11], [sflag:$0x3], $0x4000, $0x38;
	[tilespmem:$0xA000] =	vst v63  }
0x19: {  	_ =	swait.ge [sflag:s14], $0x4000  }
0x1a: {  	[sflag:s14] =	ssyncset.done $0x0  }
0x1b: {  	s18 =	sadd.s32 $0x800, s18;
	[sflag:s14] =	ssyncadd.s32 $0xFFFFC000  }
0x1c: {  	[hbm4b:s18+s2] =	stream.linear.scatter [tilespmem:s12], [sflag:$0x4], $0x4000, $0x38;
	[tilespmem:$0xA000] =	vst v63  }
0x1d: {  	_ =	swait.ge [sflag:s15], $0x4000  }
0x1e: {  	[sflag:s15] =	ssyncset.done $0x0  }
0x1f: {  	s31 =	simm.s32 $0x100;
	[sflag:s15] =	ssyncadd.s32 $0xFFFFC000  }
0x20: {  	[tilespmem:s11], [sflag:$0x1] =	stream.indirect.gather [hbm4b:s3+s10], $0x80, s31, s10, $0xb8;
	[tilespmem:$0xA000] =	vst v63  }
0x21: {  	_ =	swait.ge [sflag:s16], $0x4000  }
0x22: {  	s19 =	simm.s32 $0x1000;
	[sflag:s16] =	ssyncset.done $0x0  }
0x23: {  	s20 =	simm.s32 $0x280;
	s18 =	simm.s32 $0x180;
	[sflag:s16] =	ssyncadd.s32 $0xFFFFC000  }
.LBB2_2:
0x24: {  	[tilespmem:s12], [sflag:$0x2] =	stream.indirect.gather [hbm4b:s3+s10], $0x80, s18, s10, $0xb8;
	[tilespmem:$0xA000] =	vst v63  }
0x25: {  	s21 =	smov.u32 s19;
	s18 =	smov.u32 s20  }
0x26: {  	p0 =	sne.s32 s19, $0x1E000;
	s19 =	sadd.s32 $0x1000, s19;
	_ =	swait.ge [sflag:s13], $0x4000  }
0x27: {  	[sflag:s13] =	ssyncset.done $0x0  }
0x28: {  	s21 =	sadd.s32 s21, s8;
	[sflag:s13] =	ssyncadd.s32 $0xFFFFC000  }
0x29: {  	[hbm4b:s21+s2] =	stream.linear.scatter [tilespmem:s11], [sflag:$0x3], $0x4000, $0x38;
	[tilespmem:$0xA000] =	vst v63  }
0x2a: {  	_ =	swait.ge [sflag:s14], $0x4000  }
0x2b: {  	[sflag:s14] =	ssyncset.done $0x0  }
0x2c: {  	s21 =	sadd.s32 $0x800, s21;
	[sflag:s14] =	ssyncadd.s32 $0xFFFFC000  }
0x2d: {  	[hbm4b:s21+s2] =	stream.linear.scatter [tilespmem:s12], [sflag:$0x4], $0x4000, $0x38;
	[tilespmem:$0xA000] =	vst v63  }
0x2e: {  	_ =	swait.ge [sflag:s15], $0x4000  }
0x2f: {  	[sflag:s15] =	ssyncset.done $0x0  }
.Ltmp0:
0x30: {  	s21 =	sadd.s32 $0xFFFFFF80, s20;
	[sflag:s15] =	ssyncadd.s32 $0xFFFFC000;
	(pc) =	sbr.rel @p0 .LBB2_2-.Ltmp0, $4  }
0x31: {  	[tilespmem:s11], [sflag:$0x1] =	stream.indirect.gather [hbm4b:s3+s10], $0x80, s21, s10, $0xb8;
	[tilespmem:$0xA000] =	vst v63  }
0x32: {  	_ =	swait.ge [sflag:s16], $0x4000  }
0x33: {  	[sflag:s16] =	ssyncset.done $0x0  }
0x34: {  	s20 =	sadd.s32 $0x100, s20;
	[sflag:s16] =	ssyncadd.s32 $0xFFFFC000  }
0x35: {  	[tilespmem:s12], [sflag:$0x2] =	stream.indirect.gather [hbm4b:s3+s10], $0x80, s18, s10, $0xb8;
	[tilespmem:$0xA000] =	vst v63  }
0x36: {  	_ =	swait.ge [sflag:s13], $0x4000  }
0x37: {  	[sflag:s13] =	ssyncset.done $0x0  }
0x38: {  	[sflag:s13] =	ssyncadd.s32 $0xFFFFC000  }
0x39: {  	[hbm4b:s6+s2] =	stream.linear.scatter [tilespmem:s11], [sflag:$0x3], $0x4000, $0x38;
	[tilespmem:$0xA000] =	vst v63  }
0x3a: {  	_ =	swait.ge [sflag:s14], $0x4000  }
0x3b: {  	[sflag:s14] =	ssyncset.done $0x0  }
0x3c: {  	s17 =	sadd.s32 $0x1, s17;
	[sflag:s14] =	ssyncadd.s32 $0xFFFFC000  }
0x3d: {  	[hbm4b:s7+s2] =	stream.linear.scatter [tilespmem:s12], [sflag:$0x4], $0x4000, $0x38;
	[tilespmem:$0xA000] =	vst v63  }
0x3e: {  	p0 =	sne.s32 s17, s5;
	_ =	swait.ge [sflag:s15], $0x4000  }
.Ltmp1:
0x3f: {  	[sflag:s15] =	ssyncset.done $0x0;
	(pc) =	sbr.rel @p0 .LBB2_1-.Ltmp1, $4  }
0x40: {  	[sflag:s15] =	ssyncadd.s32 $0xFFFFC000  }
0x41: {  	_ =	swait.ge [sflag:s16], $0x4000  }
0x42: {  	[sflag:s16] =	ssyncset.done $0x0  }
0x43: {  	[sflag:s16] =	ssyncadd.s32 $0xFFFFC000  }
0x44: {  	_ =	sfence.sel $0x180000  }
0x45: {  	[bflag:$0x0] =	sbarrier.arrive $0xFFFF  }
0x46: {  	p0 =	sne.s32 s1, $0x0;
	_ =	strace $0x90000047  }
0x47: {  	s0 =	sadd.s32 @!p0 $0x100000, s0;
	[bflag:$0x2] =	sbarrier.arrive $0xFFFF  }
0x48: {  	[sflag:s0] =	ssyncadd.tile.s32 @!p0 $0x1;
	_ =	shalt  }
.Lfunc_end2:
_tile_overlayer_lowered:
.L_overlay_start_2:
0x49: {  	(tag) =	ssettag $0x2  }
0x4a: {  	s0 =	rddreg [dreg:$0x0];
	s2 =	stileid.u32  }
0x4b: {  	s1 =	rddreg [dreg:$0x1];
	p0 =	sne.s32 s2, $0x0  }
0x4c: {  	s3 =	rddreg [dreg:$0x2];
	[bflag:$0x3] =	sbarrier.arrive $0xFFFF;
	s2 =	simm.s32 @!p0 $0x1C05  }
0x4d: {  	[timem:s3], [sflag:s2] =	dma.local @!p0 [hbm:s0], s1  }
0x4e: {  	s0 =	simm.s32 @!p0 $0x5  }
0x4f: {  	_ =	swait.ge @!p0 [sflag:s0], s1  }
0x50: {  	s1 =	ssub.s32 @!p0 $0x0, s1;
	[sflag:s0] =	ssyncset.done @!p0 $0x0  }
0x51: {  	[sflag:s0] =	ssyncadd.s32 @!p0 s1  }
0x52: {  	[bflag:$0x3] =	sbarrier.arrive $0xFFFF  }
0x53: {  	_ =	shalt  }

// kernel: kernel.8.cloned.1.call-start
scs
__scs_entry_jumppad:
0x0: {  	(pc) =	sbr.rel $0x88, $3  }
0x1: {  	(tag) =	ssettag $0x0;
	lr =	simm.s32 $0x1  }
0x2: {  	[smem:$0x3F8F] =	sst lr;
	_ =	strace $0xD0000000  }
0x3: {  	_ = 	snop  }
0x4: {  	_ = 	snop  }
0x5: {  	_ = 	snop  }
0x6: {  	_ = 	snop  }
0x7: {  	_ = 	snop  }
__scs_overlays_trampoline_lowered:
0x8: {  	[smem:$0x3F9E] =	sst s0  }
0x9: {  	[smem:$0x3F9F] =	sst s1  }
0xa: {  	[smem:$0x3FA0] =	sst s2  }
0xb: {  	[smem:$0x3FA1] =	sst s3  }
0xc: {  	[smem:$0x3FA2] =	sst s4  }
0xd: {  	[smem:$0x3FA3] =	sst s5  }
0xe: {  	[smem:$0x3FA4] =	sst s6  }
0xf: {  	[smem:$0x3FA5] =	sst s7  }
0x10: {  	[smem:$0x3FA6] =	sst s8  }
0x11: {  	[smem:$0x3FA7] =	sst s9;
	s0 =	simm.s32 @!p0 $0x0  }
0x12: {  	s1 =	sld [smem:$0x3F8D];
	s0 =	simm.s32 @p0 $0x1  }
0x13: {  	[smem:$0x3FA8] =	sst s0;
	s0 =	simm.s32 @!p1 $0x0  }
0x14: {  	s2 =	sld [smem:$0x3F8C];
	s0 =	simm.s32 @p1 $0x1  }
0x15: {  	[smem:$0x3FA9] =	sst s0;
	s0 =	simm.s32 @!p2 $0x0  }
0x16: {  	s3 =	sld [smem:$0x3FDB];
	s0 =	simm.s32 @p2 $0x1  }
0x17: {  	s4 =	simm.s32 $0x1BF5;
	[smem:$0x3FAB] =	sst s0  }
0x18: {  	s0 =	sld [smem:$0x3F8E];
	_ =	swait.ge [sflag:s4], $0x0  }
0x19: {  	s7 =	sld [smem:$0x3F8F]  }
0x1a: {  	s8 =	sadd.s32 $0xFFFFE003, lr  }
0x1b: {  	s9 =	sadd.s32 $0xFFFFFEF7, lr;
	s5 =	simm.s32 $0xFFFFFFFF;
	p2 =	slt.u32 s8, $0xFFFFF086  }
0x1c: {  	p1 =	slt.u32 s9, $0xF7A;
	s5 =	simm.s32 @!p2 $0x0  }
0x1d: {  	s5 =	simm.s32 @p1 $0x1;
	p0 =	seq.s32 s7, s2  }
0x1e: {  	s7 =	smul.u32 @!p0 $0xF7A, s2;
	p2 =	seq.s32 @!p0 s5, $0x0  }
0x1f: {  	s9 =	smul.u32 $0xF7A, s1;
	s8 =	simm.s32 @!p0 $0x1BF5;
	p2 =	por !p2, p0  }
0x20: {  	[sflag:s8] =	ssyncset.s32 @!p0 $0xFFFFF086;
	s6 =	sadd.s32 @!p0 s3, s7;
	s7 =	simm.s32 @!p0 $0x108  }
0x21: {  	s3 =	sadd.s32 s3, s9;
	s6 =	sadd.s32 @!p0 $0x88, s6;
	s7 =	simm.s32 @p2 $0x1082  }
0x22: {  	[simem:s7], [sflag:s8] =	dma.local @!p0 [hbm:s6], $0xF7A  }
0x23: {  	s9 =	sor.u32 $0xD0000000, s2;
	s6 =	simm.s32 $0x108;
	_ =	swait.ge @!p0 [sflag:s8], $0x0  }
0x24: {  	s3 =	sadd.s32 $0x88, s3;
	s6 =	simm.s32 @!p1 $0x1082;
	[sflag:s4] =	ssyncset.s32 $0xFFFFF086  }
0x25: {  	[simem:s6], [sflag:s4] =	dma.local [hbm:s3], $0xF7A  }
0x26: {  	[smem:$0x3F8F] =	sst s1;
	(tag) =	ssettag s2;
	_ =	strace s9  }
0x27: {  	s1 =	sld [smem:$0x3F9F]  }
0x28: {  	s2 =	sld [smem:$0x3FA0]  }
0x29: {  	s4 =	sld [smem:$0x3FA2]  }
0x2a: {  	p0 =	seq.s32 s5, $0x0;
	s5 =	sld [smem:$0x3FA3]  }
0x2b: {  	s6 =	sld [smem:$0x3FA4]  }
0x2c: {  	s7 =	sld [smem:$0x3FA5]  }
0x2d: {  	s3 =	simm.s32 $0x108;
	s8 =	sld [smem:$0x3FA6]  }
0x2e: {  	s3 =	simm.s32 @!p0 $0x1082;
	s9 =	sld [smem:$0x3FA7]  }
0x2f: {  	lr =	sadd.s32 s0, s3;
	s0 =	sld [smem:$0x3F9E]  }
0x30: {  	s3 =	sld [smem:$0x3FA1]  }
0x31: {  	[smem:$0x3FAA] =	sst s10  }
0x32: {  	s10 =	sld [smem:$0x3FA8];
	_ =	sdelay $0x3  }
0x33: {  	p0 =	seq.s32 s10, $0x1;
	s10 =	sld [smem:$0x3FAA];
	_ =	sdelay $0x3  }
0x34: {  	[smem:$0x3FAA] =	sst s10  }
0x35: {  	s10 =	sld [smem:$0x3FA9];
	_ =	sdelay $0x3  }
0x36: {  	p1 =	seq.s32 s10, $0x1;
	s10 =	sld [smem:$0x3FAA];
	_ =	sdelay $0x3  }
0x37: {  	[smem:$0x3FAA] =	sst s10  }
0x38: {  	s10 =	sld [smem:$0x3FAB]  }
0x39: {  	_ = 	snop;
	(pc) =	sbr.ind lr, $3  }
0x3a: {  	_ = 	snop  }
0x3b: {  	_ = 	snop  }
0x3c: {  	p2 =	seq.s32 s10, $0x1;
	s10 =	sld [smem:$0x3FAA]  }
0x3d: {  	_ =	shalt  }
0x3e: {  	_ =	shalt  }
0x3f: {  	_ =	shalt  }
0x40: {  	_ =	shalt  }
0x41: {  	_ =	shalt  }
0x42: {  	_ =	shalt  }
0x43: {  	_ =	shalt  }
0x44: {  	_ =	shalt  }
0x45: {  	_ =	shalt  }
0x46: {  	_ =	shalt  }
0x47: {  	_ =	shalt  }
0x48: {  	_ =	shalt  }
0x49: {  	_ =	shalt  }
0x4a: {  	_ =	shalt  }
0x4b: {  	_ =	shalt  }
0x4c: {  	_ =	shalt  }
0x4d: {  	_ =	shalt  }
0x4e: {  	_ =	shalt  }
0x4f: {  	_ =	shalt  }
0x50: {  	_ =	shalt  }
0x51: {  	_ =	shalt  }
0x52: {  	_ =	shalt  }
0x53: {  	_ =	shalt  }
0x54: {  	_ =	shalt  }
0x55: {  	_ =	shalt  }
0x56: {  	_ =	shalt  }
0x57: {  	_ =	shalt  }
0x58: {  	_ =	shalt  }
0x59: {  	_ =	shalt  }
0x5a: {  	_ =	shalt  }
0x5b: {  	_ =	shalt  }
0x5c: {  	_ =	shalt  }
0x5d: {  	_ =	shalt  }
0x5e: {  	_ =	shalt  }
0x5f: {  	_ =	shalt  }
0x60: {  	_ =	shalt  }
0x61: {  	_ =	shalt  }
0x62: {  	_ =	shalt  }
0x63: {  	_ =	shalt  }
0x64: {  	_ =	shalt  }
0x65: {  	_ =	shalt  }
0x66: {  	_ =	shalt  }
0x67: {  	_ =	shalt  }
0x68: {  	_ =	shalt  }
0x69: {  	_ =	shalt  }
0x6a: {  	_ =	shalt  }
0x6b: {  	_ =	shalt  }
0x6c: {  	_ =	shalt  }
0x6d: {  	_ =	shalt  }
0x6e: {  	_ =	shalt  }
0x6f: {  	_ =	shalt  }
0x70: {  	_ =	shalt  }
0x71: {  	_ =	shalt  }
0x72: {  	_ =	shalt  }
0x73: {  	_ =	shalt  }
0x74: {  	_ =	shalt  }
0x75: {  	_ =	shalt  }
0x76: {  	_ =	shalt  }
0x77: {  	_ =	shalt  }
0x78: {  	_ =	shalt  }
0x79: {  	_ =	shalt  }
0x7a: {  	_ =	shalt  }
0x7b: {  	_ =	shalt  }
0x7c: {  	_ =	shalt  }
0x7d: {  	_ =	shalt  }
0x7e: {  	_ =	shalt  }
0x7f: {  	_ =	shalt  }
0x80: {  	_ =	shalt  }
0x81: {  	_ =	shalt  }
0x82: {  	_ =	shalt  }
0x83: {  	_ =	shalt  }
0x84: {  	_ =	shalt  }
0x85: {  	_ =	shalt  }
0x86: {  	_ =	shalt  }
0x87: {  	_ =	shalt  }
.Lfunc_end0:
.L_simem_size_0:
called_computation_lowered:
.L_overlay_start_0:
0x88: {  	s2 =	sld [smem:$0x3FD9]  }
0x89: {  	s3 =	sld [smem:$0x3FFE];
	_ =	sdelay $0x1  }
0x8a: {  	s1 =	srdreg.scid  }
0x8b: {  	s0 =	sand.u32 $0x1, s1  }
0x8c: {  	s17 =	sshll.u32 s0, $0xA;
	s2 =	sadd.s32 s3, s2  }
0x8d: {  	s2 =	sadd.s32 s2, s17  }
0x8e: {  	[smem:$0x3FB6] =	sst s2  }
0x8f: {  	_ = 	snop  }
0x90: {  	(tm) =	ssettm $0x1  }
0x91: {  	s18 =	sld [smem:$0x3FFB];
	_ =	sdelay $0x3  }
0x92: {  	_ =	strace s18  }
0x93: {  	s2 =	sld [smem:$0x3FFC];
	_ =	sdelay $0x3  }
0x94: {  	_ =	strace s2  }
0x95: {  	s2 =	sld [smem:$0x3FFD];
	_ =	sdelay $0x3  }
0x96: {  	_ =	strace s2  }
0x97: {  	_ =	strace $0x8FFFFFFF  }
0x98: {  	s19 =	sld [smem:$0x3FDB];
	_ =	sdelay $0x1  }
0x99: {  	s20 =	simm.s32 $_scs_section_size  }
0x9a: {  	s4 =	simm.s32 $_size__tile_overlayer_lowered;
	s5 =	simm.s32 $_tile_overlayer_lowered  }
0x9b: {  	s6 =	simm.s32 $0x1BFF;
	s21 =	sshll.u32 s5, $0x1;
	s3 =	sadd.s32 s20, s19  }
0x9c: {  	s22 =	simm.s32 $0x0;
	s4 =	sshll.u32 s4, $0x1;
	s5 =	sadd.s32 s21, s3  }
0x9d: {  	[timem:s22], [sflag:s6] =	dma.local [hbm:s5], s4  }
0x9e: {  	_ =	swait.ge [sflag:s6], s4  }
0x9f: {  	s4 =	ssub.s32 $0x0, s4;
	[sflag:s6] =	ssyncset.done $0x0  }
0xa0: {  	[sflag:s6] =	ssyncadd.s32 s4;
	_ =	sdelay $0x1  }
0xa1: {  	s23 =	simm.s32 $0x1B8B  }
0xa2: {  	_ =	swait.ge [sflag:s23], $0x1  }
0xa3: {  	[sflag:s23] =	ssyncset.done $0x0  }
0xa4: {  	[sflag:s23] =	ssyncadd.s32 $0xFFFFFFFF  }
0xa5: {  	s4 =	sld [smem:$0x0]  }
0xa6: {  	s5 =	sand.u32 $0xFFFFFFFE, s1  }
0xa7: {  	p0 =	sne.s32 s1, s5  }
0xa8: {  	s5 =	sshll.u32 @p0 s5, $0xE  }
0xa9: {  	s5 =	sadd.s32 @p0 $0x11B8D, s5;
	s6 =	sshll.u32 @p0 s4, $0x11  }
0xaa: {  	s5 =	sor.u32 @p0 s6, s5  }
0xab: {  	[sflag:s5] =	ssyncadd.remote.s32 @p0 $0x1;
	_ =	sdelay $0x1  }
0xac: {  	s5 =	simm.s32 @p0 $0x1B8D  }
0xad: {  	_ =	swait.eq @p0 [sflag:s5], $0x1  }
0xae: {  	[sflag:s5] =	ssyncadd.s32 @p0 $0xFFFFFFFF  }
0xaf: {  	s6 =	sshll.u32 @!p0 s1, $0xE  }
0xb0: {  	s6 =	sor.u32 @!p0 $0x4000, s6;
	s5 =	simm.s32 @!p0 $0x1B8D  }
0xb1: {  	s4 =	sshll.u32 @!p0 s4, $0x11;
	s6 =	sadd.s32 @!p0 $0x11B8D, s6;
	_ =	swait.eq @!p0 [sflag:s5], $0x1  }
0xb2: {  	s4 =	sor.u32 @!p0 s4, s6;
	[sflag:s5] =	ssyncadd.s32 @!p0 $0xFFFFFFFF  }
0xb3: {  	s25 =	simm.s32 $0x1B8E;
	s24 =	sld [smem:$0x3FFE];
	[sflag:s4] =	ssyncadd.remote.s32 @!p0 $0x1  }
0xb4: {  	s26 =	simm.s32 $execute0_lowered;
	[smem:$0x3FD2] =	sst s25  }
0xb5: {  	s5 =	sshll.u32 s26, $0x1;
	_ =	strace $0x80000049;
	[dreg:$0x1] =	wrdreg $0xFFFFFFFF  }
0xb6: {  	s28 =	simm.s32 $_size_execute0_lowered;
	s3 =	sadd.s32 s3, s5;
	[dreg:$0x0] =	wrdreg $0x0  }
0xb7: {  	s5 =	sshll.u32 s28, $0x1;
	[dreg:$0x2] =	wrdreg s3  }
0xb8: {  	[dreg:$0x3] =	wrdreg s5  }
0xb9: {  	[dreg:$0x4] =	wrdreg $0xC0  }
0xba: {  	_ =	task [dreg:s22], $0x5FFFF  }
0xbb: {  	[dreg:$0x1] =	wrdreg $0xFFFFFFFF  }
0xbc: {  	[dreg:$0x0] =	wrdreg $0x60  }
0xbd: {  	[dreg:$0x2] =	wrdreg s24  }
0xbe: {  	[dreg:$0x3] =	wrdreg $0x9  }
0xbf: {  	_ =	task.clear_ibuf [dreg:s22], $0x4FFFF;
	_ =	strace $0x90000049  }
0xc0: {  	s29 =	simm.s32 $0x9;
	_ =	strace $0x8000004B  }
0xc1: {  	_ =	swait.ge [sflag:s29], $0x1  }
0xc2: {  	[sflag:s29] =	ssyncadd.s32 $0xFFFFFFFF  }
0xc3: {  	_ =	strace $0x9000004B  }
0xc4: {  	_ =	sfence  }
0xc5: {  	s30 =	sld [smem:$0x0];
	_ =	sdelay $0x2  }
0xc6: {  	s31 =	sshll.u32 s1, $0xD;
	s1 =	sshrl.u32 s1, $0x2  }
0xc7: {  	s4 =	sand.u32 $0x4000, s31;
	s1 =	sadd.s32 s1, s30  }
0xc8: {  	s0 =	sor.u32 s4, s0;
	s1 =	sshll.u32 s1, $0x11  }
0xc9: {  	s0 =	sor.u32 s1, s0  }
0xca: {  	s0 =	sadd.s32 $0x8F2B, s0  }
0xcb: {  	[sflag:s0] =	ssyncadd.remote.s32 $0x1  }
0xcc: {  	_ =	sfence.sel $0xFFFF  }
0xcd: {  	[dreg:$0x0] =	wrdreg $0xFFFFFFFF;
	(pc) =	sbr.abs _section_cstart, $3  }
0xce: {  	[dreg:$0x1] =	wrdreg $0xFFFFFFFF  }
0xcf: {  	_ =	task.clear_ibuf [dreg:s22], $0x2FFFF;
	_ =	strace $0x9FFFFFFF  }
0xd0: {  	(tm) =	ssettm $0x7FFFFFFF  }
0xd1: {  	_ =	shalt  }
tec
execute0_lowered:
.L_overlay_start_1:
0x0: {  	(tag) =	ssettag $0x1  }
0x1: {  	s4 =	rddreg [dreg:$0x0]  }
0x2: {  	s0 =	rddreg [dreg:$0x1];
	s3 =	srdreg.scid  }
0x3: {  	s1 =	stileid.u32;
	s2 =	simm.s32 $0x0;
	s11 =	simm.s32 $0x2000  }
0x4: {  	s12 =	simm.s32 $0x6000;
	s13 =	simm.s32 $0x1;
	s14 =	simm.s32 $0x2  }
0x5: {  	s15 =	simm.s32 $0x3;
	s16 =	simm.s32 $0x4;
	s17 =	simm.s32 $0x0  }
0x6: {  	s6 =	sand.u32 $0x1, s3;
	s26 =	sshll.u32 s1, $0x1;
	[smem:$0x7FF] =	sst s2  }
0x7: {  	s3 =	sadd.s32 $0xE6000, s4;
	s10 =	sadd.s32 $0x576800, s4;
	s29 =	sshll.u32 s1, $0x12  }
0x8: {  	s5 =	sor.u32 s6, s26;
	_ =	strace $0x8000004A;
	s8 =	ssub.s32 $0x2, s6  }
0x9: {  	s30 =	sadd.s32 s29, s10;
	s31 =	sshll.u32 s6, $0x11;
	s7 =	sshll.u32 s5, $0xA  }
0xa: {  	s9 =	sshrl.u32 s8, $0x1;
	s5 =	sshll.u32 s5, $0x11;
	s7 =	sadd.s32 s7, s4  }
0xb: {  	s8 =	ssub.s32 s8, s9;
	s28 =	sadd.s32 s10, s5;
	s9 =	simm.s32 $0x5  }
0xc: {  	s10 =	simm.s32 $0x80;
	s4 =	sadd.s32 $0x126800, s7;
	s5 =	smax.u32 s8, $0x1  }
0xd: {  	s6 =	sadd.s32 $0x1F000, s28;
	s7 =	sadd.s32 $0x1F800, s28;
	s8 =	sadd.s32 s31, s30  }
.LBB2_1:
0xe: {  	[tilespmem:s2], [sflag:$0x5] =	stream.linear.gather [hbm4b:s4+s2], $0x2000, $0x38;
	[tilespmem:$0xA000] =	vst v63  }
0xf: {  	_ =	swait.ge [sflag:s9], $0x2000  }
0x10: {  	[sflag:s9] =	ssyncset.done $0x0  }
0x11: {  	[sflag:s9] =	ssyncadd.s32 $0xFFFFE000  }
0x12: {  	[tilespmem:s11], [sflag:$0x1] =	stream.indirect.gather [hbm4b:s3+s10], $0x80, s2, s10, $0xb8;
	[tilespmem:$0xA000] =	vst v63  }
0x13: {  	_ = 	snop  }
0x14: {  	[tilespmem:s12], [sflag:$0x2] =	stream.indirect.gather [hbm4b:s3+s10], $0x80, s10, s10, $0xb8;
	[tilespmem:$0xA000] =	vst v63  }
0x15: {  	_ =	swait.ge [sflag:s13], $0x4000  }
0x16: {  	[sflag:s13] =	ssyncset.done $0x0  }
0x17: {  	s18 =	sadd.s32 $0x0, s8;
	[sflag:s13] =	ssyncadd.s32 $0xFFFFC000  }
0x18: {  	[hbm4b:s18+s2] =	stream.linear.scatter [tilespmem:s11], [sflag:$0x3], $0x4000, $0x38;
	[tilespmem:$0xA000] =	vst v63  }
0x19: {  	_ =	swait.ge [sflag:s14], $0x4000  }
0x1a: {  	[sflag:s14] =	ssyncset.done $0x0  }
0x1b: {  	s18 =	sadd.s32 $0x800, s18;
	[sflag:s14] =	ssyncadd.s32 $0xFFFFC000  }
0x1c: {  	[hbm4b:s18+s2] =	stream.linear.scatter [tilespmem:s12], [sflag:$0x4], $0x4000, $0x38;
	[tilespmem:$0xA000] =	vst v63  }
0x1d: {  	_ =	swait.ge [sflag:s15], $0x4000  }
0x1e: {  	[sflag:s15] =	ssyncset.done $0x0  }
0x1f: {  	s31 =	simm.s32 $0x100;
	[sflag:s15] =	ssyncadd.s32 $0xFFFFC000  }
0x20: {  	[tilespmem:s11], [sflag:$0x1] =	stream.indirect.gather [hbm4b:s3+s10], $0x80, s31, s10, $0xb8;
	[tilespmem:$0xA000] =	vst v63  }
0x21: {  	_ =	swait.ge [sflag:s16], $0x4000  }
0x22: {  	s19 =	simm.s32 $0x1000;
	[sflag:s16] =	ssyncset.done $0x0  }
0x23: {  	s20 =	simm.s32 $0x280;
	s18 =	simm.s32 $0x180;
	[sflag:s16] =	ssyncadd.s32 $0xFFFFC000  }
.LBB2_2:
0x24: {  	[tilespmem:s12], [sflag:$0x2] =	stream.indirect.gather [hbm4b:s3+s10], $0x80, s18, s10, $0xb8;
	[tilespmem:$0xA000] =	vst v63  }
0x25: {  	s21 =	smov.u32 s19;
	s18 =	smov.u32 s20  }
0x26: {  	p0 =	sne.s32 s19, $0x1E000;
	s19 =	sadd.s32 $0x1000, s19;
	_ =	swait.ge [sflag:s13], $0x4000  }
0x27: {  	[sflag:s13] =	ssyncset.done $0x0  }
0x28: {  	s21 =	sadd.s32 s21, s8;
	[sflag:s13] =	ssyncadd.s32 $0xFFFFC000  }
0x29: {  	[hbm4b:s21+s2] =	stream.linear.scatter [tilespmem:s11], [sflag:$0x3], $0x4000, $0x38;
	[tilespmem:$0xA000] =	vst v63  }
0x2a: {  	_ =	swait.ge [sflag:s14], $0x4000  }
0x2b: {  	[sflag:s14] =	ssyncset.done $0x0  }
0x2c: {  	s21 =	sadd.s32 $0x800, s21;
	[sflag:s14] =	ssyncadd.s32 $0xFFFFC000  }
0x2d: {  	[hbm4b:s21+s2] =	stream.linear.scatter [tilespmem:s12], [sflag:$0x4], $0x4000, $0x38;
	[tilespmem:$0xA000] =	vst v63  }
0x2e: {  	_ =	swait.ge [sflag:s15], $0x4000  }
0x2f: {  	[sflag:s15] =	ssyncset.done $0x0  }
.Ltmp0:
0x30: {  	s21 =	sadd.s32 $0xFFFFFF80, s20;
	[sflag:s15] =	ssyncadd.s32 $0xFFFFC000;
	(pc) =	sbr.rel @p0 .LBB2_2-.Ltmp0, $4  }
0x31: {  	[tilespmem:s11], [sflag:$0x1] =	stream.indirect.gather [hbm4b:s3+s10], $0x80, s21, s10, $0xb8;
	[tilespmem:$0xA000] =	vst v63  }
0x32: {  	_ =	swait.ge [sflag:s16], $0x4000  }
0x33: {  	[sflag:s16] =	ssyncset.done $0x0  }
0x34: {  	s20 =	sadd.s32 $0x100, s20;
	[sflag:s16] =	ssyncadd.s32 $0xFFFFC000  }
0x35: {  	[tilespmem:s12], [sflag:$0x2] =	stream.indirect.gather [hbm4b:s3+s10], $0x80, s18, s10, $0xb8;
	[tilespmem:$0xA000] =	vst v63  }
0x36: {  	_ =	swait.ge [sflag:s13], $0x4000  }
0x37: {  	[sflag:s13] =	ssyncset.done $0x0  }
0x38: {  	[sflag:s13] =	ssyncadd.s32 $0xFFFFC000  }
0x39: {  	[hbm4b:s6+s2] =	stream.linear.scatter [tilespmem:s11], [sflag:$0x3], $0x4000, $0x38;
	[tilespmem:$0xA000] =	vst v63  }
0x3a: {  	_ =	swait.ge [sflag:s14], $0x4000  }
0x3b: {  	[sflag:s14] =	ssyncset.done $0x0  }
0x3c: {  	s17 =	sadd.s32 $0x1, s17;
	[sflag:s14] =	ssyncadd.s32 $0xFFFFC000  }
0x3d: {  	[hbm4b:s7+s2] =	stream.linear.scatter [tilespmem:s12], [sflag:$0x4], $0x4000, $0x38;
	[tilespmem:$0xA000] =	vst v63  }
0x3e: {  	p0 =	sne.s32 s17, s5;
	_ =	swait.ge [sflag:s15], $0x4000  }
.Ltmp1:
0x3f: {  	[sflag:s15] =	ssyncset.done $0x0;
	(pc) =	sbr.rel @p0 .LBB2_1-.Ltmp1, $4  }
0x40: {  	[sflag:s15] =	ssyncadd.s32 $0xFFFFC000  }
0x41: {  	_ =	swait.ge [sflag:s16], $0x4000  }
0x42: {  	[sflag:s16] =	ssyncset.done $0x0  }
0x43: {  	[sflag:s16] =	ssyncadd.s32 $0xFFFFC000  }
0x44: {  	_ =	sfence.sel $0x180000  }
0x45: {  	[bflag:$0x0] =	sbarrier.arrive $0xFFFF  }
0x46: {  	p0 =	sne.s32 s1, $0x0;
	_ =	strace $0x9000004A  }
0x47: {  	s0 =	sadd.s32 @!p0 $0x100000, s0;
	[bflag:$0x2] =	sbarrier.arrive $0xFFFF  }
0x48: {  	[sflag:s0] =	ssyncadd.tile.s32 @!p0 $0x1;
	_ =	shalt  }
.Lfunc_end2:
_tile_overlayer_lowered:
.L_overlay_start_2:
0x49: {  	(tag) =	ssettag $0x2  }
0x4a: {  	s0 =	rddreg [dreg:$0x0];
	s2 =	stileid.u32  }
0x4b: {  	s1 =	rddreg [dreg:$0x1];
	p0 =	sne.s32 s2, $0x0  }
0x4c: {  	s3 =	rddreg [dreg:$0x2];
	[bflag:$0x3] =	sbarrier.arrive $0xFFFF;
	s2 =	simm.s32 @!p0 $0x1C05  }
0x4d: {  	[timem:s3], [sflag:s2] =	dma.local @!p0 [hbm:s0], s1  }
0x4e: {  	s0 =	simm.s32 @!p0 $0x5  }
0x4f: {  	_ =	swait.ge @!p0 [sflag:s0], s1  }
0x50: {  	s1 =	ssub.s32 @!p0 $0x0, s1;
	[sflag:s0] =	ssyncset.done @!p0 $0x0  }
0x51: {  	[sflag:s0] =	ssyncadd.s32 @!p0 s1  }
0x52: {  	[bflag:$0x3] =	sbarrier.arrive $0xFFFF  }
0x53: {  	_ =	shalt  }

</sc_bundles>
